<compile_context>
chip_gen: v7x
topology: tpu7x:2x2x1
jax: 0.10.2.dev20260603
libtpu: 0.0.44.dev20260713+nightly
codegen_flags: <defaults>
</compile_context>

<pallas_src>
import functools

import jax
import jax.numpy as jnp
from jax import lax
from jax.experimental import pallas as pl
from jax.experimental.pallas import tpu as pltpu
from jax.experimental.pallas import tpu_sc as plsc

_N = 100000
_B = 128
_NW = 32
_RPW = _N // _NW
_CH = 125
_NCHK = _RPW // _CH
_CHF = _CH * _B
_NK = _B // 16


def _wid():
    return lax.axis_index("s") * 2 + lax.axis_index("c")


def _stats_body(x_hbm, m_hbm, s_hbm, buf, stat):
    w = _wid()
    base = w * _RPW * _B
    minf = jnp.full((16,), -jnp.inf, jnp.float32)
    zero = jnp.zeros((16,), jnp.float32)

    def chunk_loop(t, carry):
        pltpu.sync_copy(x_hbm.at[pl.ds(base + t * _CHF, _CHF)], buf)
        ms, ss = carry[:_NK], carry[_NK:]

        def maxr(r, cms):
            return tuple(
                jnp.maximum(cms[k], buf[pl.ds(r * _B + 16 * k, 16)])
                for k in range(_NK)
            )

        cm = lax.fori_loop(0, _CH, maxr, (minf,) * _NK)
        nm = tuple(jnp.maximum(ms[k], cm[k]) for k in range(_NK))
        ns0 = tuple(ss[k] * jnp.exp(ms[k] - nm[k]) for k in range(_NK))

        def expr(r, sacc):
            return tuple(
                sacc[k] + jnp.exp(buf[pl.ds(r * _B + 16 * k, 16)] - nm[k])
                for k in range(_NK)
            )

        ns = lax.fori_loop(0, _CH, expr, ns0)
        return nm + ns

    carry = lax.fori_loop(
        0, _NCHK, chunk_loop, (minf,) * _NK + (zero,) * _NK
    )
    for k in range(_NK):
        stat[pl.ds(16 * k, 16)] = carry[k]
        stat[pl.ds(_B + 16 * k, 16)] = carry[_NK + k]
    pltpu.sync_copy(stat.at[pl.ds(0, _B)], m_hbm.at[pl.ds(w * _B, _B)])
    pltpu.sync_copy(stat.at[pl.ds(_B, _B)], s_hbm.at[pl.ds(w * _B, _B)])


def _scale_body(x_hbm, g_hbm, o_hbm, buf, stat):
    w = _wid()
    base = w * _RPW * _B
    pltpu.sync_copy(g_hbm, stat)
    gm = tuple(stat[pl.ds(16 * k, 16)] for k in range(_NK))
    gi = tuple(stat[pl.ds(_B + 16 * k, 16)] for k in range(_NK))

    def chunk_loop(t, carry):
        pltpu.sync_copy(x_hbm.at[pl.ds(base + t * _CHF, _CHF)], buf)

        def rowb(r, c):
            for k in range(_NK):
                sl = pl.ds(r * _B + 16 * k, 16)
                buf[sl] = jnp.exp(buf[sl] - gm[k]) * gi[k]
            return c

        lax.fori_loop(0, _CH, rowb, 0)
        pltpu.sync_copy(buf, o_hbm.at[pl.ds(base + t * _CHF, _CHF)])
        return carry

    lax.fori_loop(0, _NCHK, chunk_loop, 0)


def kernel(logits):
    b, n = logits.shape
    xf = logits.T.reshape((n * b,))
    mesh = plsc.VectorSubcoreMesh(core_axis_name="c", subcore_axis_name="s")

    stats_fn = pl.kernel(
        _stats_body,
        out_type=(
            jax.ShapeDtypeStruct((_NW * _B,), jnp.float32),
            jax.ShapeDtypeStruct((_NW * _B,), jnp.float32),
        ),
        mesh=mesh,
        scratch_types=[
            pltpu.VMEM((_CHF,), jnp.float32),
            pltpu.VMEM((2 * _B,), jnp.float32),
        ],
    )
    m_w, s_w = stats_fn(xf)
    m_w = m_w.reshape((_NW, _B))
    s_w = s_w.reshape((_NW, _B))
    m_g = jnp.max(m_w, axis=0, keepdims=True)
    s_g = jnp.sum(s_w * jnp.exp(m_w - m_g), axis=0)
    g = jnp.concatenate([m_g[0], 1.0 / s_g])

    scale_fn = pl.kernel(
        _scale_body,
        out_type=jax.ShapeDtypeStruct((n * b,), jnp.float32),
        mesh=mesh,
        scratch_types=[
            pltpu.VMEM((_CHF,), jnp.float32),
            pltpu.VMEM((2 * _B,), jnp.float32),
        ],
    )
    of = scale_fn(xf, g)
    return of.reshape((n, b)).T

# --- scband reference (transcript-rebuilt; emitter-appended) ---
"""Pipeline reference for scband-categorical-activation-8074538516833 (READ-ONLY COPY).

The authoritative reference and input builder live on the scoring server;
editing this copy changes nothing except your own understanding.
"""

import jax, jax.numpy as jnp
import numpy as np

def setup_inputs(seed: int = 0) -> dict:
    key = jax.random.key(seed)
    logits = jax.random.normal(key, (128, 100000), dtype=jnp.float32)
    return {"logits": logits}

def reference(logits):
    # CategoricalActivation.forward with training=True, temperature=None
    # -> F.softmax(logits, dim=1)
    return jax.nn.softmax(logits, axis=1)

if __name__ == "__main__":
    import jax
    _d = setup_inputs()
    print(jax.jit(kernel)(*tuple(_d.values())))

</pallas_src>

<mosaic_0001>
#map = affine_map<(d0, d1) -> (0)>
module attributes {stable_mosaic.version = 14 : i64} {
  func.func @_stats_body(%arg0: i32, %arg1: i32, %arg2: memref<12800000xf32, #tpu.memory_space<hbm>>, %arg3: memref<4096xf32, #tpu.memory_space<hbm>>, %arg4: memref<4096xf32, #tpu.memory_space<hbm>>, %arg5: memref<16000xf32, #tpu.memory_space<vmem>>, %arg6: memref<256xf32, #tpu.memory_space<vmem>>) attributes {dimension_semantics = [#tpu.dimension_semantics<core_parallel>, #tpu.dimension_semantics<subcore_parallel>], iteration_bounds = array<i64: 2, 16>, scalar_prefetch = 0 : i64, scratch_operands = 2 : i64, tpu.core_type = #tpu.core_type<sc_vector_subcore>, window_params = [{transform_indices = #map}, {transform_indices = #map}, {transform_indices = #map}]} {
    %mul3A = arith.constant 2 : i32
    %mul3A_0 = arith.muli %arg1, %mul3A : i32
    %add3A = arith.addi %mul3A_0, %arg0 : i32
    %mul3A_1 = arith.constant 3125 : i32
    %mul3A_2 = arith.muli %add3A, %mul3A_1 : i32
    %mul3A_3 = arith.constant 128 : i32
    %mul3A_4 = arith.muli %mul3A_2, %mul3A_3 : i32
    %broadcast_in_dim3A = arith.constant 0xFF800000 : f32
    %broadcast_in_dim3A_5 = vector.broadcast %broadcast_in_dim3A : f32 to vector<16xf32>
    %broadcast_in_dim3A_6 = arith.constant 0.000000e+00 : f32
    %broadcast_in_dim3A_7 = vector.broadcast %broadcast_in_dim3A_6 : f32 to vector<16xf32>
    %scan3A = arith.constant 0 : i32
    %scan3A_8 = arith.constant 25 : i32
    %scan3A_9 = arith.addi %scan3A, %scan3A_8 : i32
    %scan3A_10 = arith.constant 1 : i32
    %scan3A_11:16 = scf.for %scan3A_80 = %scan3A to %scan3A_9 step %scan3A_10 iter_args(%scan3A_81 = %broadcast_in_dim3A_5, %scan3A_82 = %broadcast_in_dim3A_5, %scan3A_83 = %broadcast_in_dim3A_5, %scan3A_84 = %broadcast_in_dim3A_5, %scan3A_85 = %broadcast_in_dim3A_5, %scan3A_86 = %broadcast_in_dim3A_5, %scan3A_87 = %broadcast_in_dim3A_5, %scan3A_88 = %broadcast_in_dim3A_5, %scan3A_89 = %broadcast_in_dim3A_7, %scan3A_90 = %broadcast_in_dim3A_7, %scan3A_91 = %broadcast_in_dim3A_7, %scan3A_92 = %broadcast_in_dim3A_7, %scan3A_93 = %broadcast_in_dim3A_7, %scan3A_94 = %broadcast_in_dim3A_7, %scan3A_95 = %broadcast_in_dim3A_7, %scan3A_96 = %broadcast_in_dim3A_7) -> (vector<16xf32>, vector<16xf32>, vector<16xf32>, vector<16xf32>, vector<16xf32>, vector<16xf32>, vector<16xf32>, vector<16xf32>, vector<16xf32>, vector<16xf32>, vector<16xf32>, vector<16xf32>, vector<16xf32>, vector<16xf32>, vector<16xf32>, vector<16xf32>)  : i32 {
      %mul3A_97 = arith.constant 16000 : i32
      %mul3A_98 = arith.muli %scan3A_80, %mul3A_97 : i32
      %add3A_99 = arith.addi %mul3A_4, %mul3A_98 : i32
      "tpu.region"() ({
        %run_scoped3A = tpu.sem_alloc : memref<!tpu.dma_semaphore, #tpu.memory_space<semaphore_mem>>
        %dma_start3A = tpu.memref_slice %arg2[%add3A_99] : memref<12800000xf32, #tpu.memory_space<hbm>> -> memref<16000xf32, #tpu.memory_space<hbm>>
        %dma_start3A_141 = tpu.memref_slice %arg2[%add3A_99] : memref<12800000xf32, #tpu.memory_space<hbm>> -> memref<16000xf32, #tpu.memory_space<hbm>>
        tpu.enqueue_dma source(%dma_start3A_141 : memref<16000xf32, #tpu.memory_space<hbm>>) target(%arg5 : memref<16000xf32, #tpu.memory_space<vmem>>) target_semaphore(%run_scoped3A : memref<!tpu.dma_semaphore, #tpu.memory_space<semaphore_mem>>)
        %dma_wait3A = tpu.memref_slice %arg2[%add3A_99] : memref<12800000xf32, #tpu.memory_space<hbm>> -> memref<16000xf32, #tpu.memory_space<hbm>>
        %dma_wait3A_142 = tpu.memref_slice %arg2[%add3A_99] : memref<12800000xf32, #tpu.memory_space<hbm>> -> memref<16000xf32, #tpu.memory_space<hbm>>
        tpu.wait_dma2 semaphore(%run_scoped3A : memref<!tpu.dma_semaphore, #tpu.memory_space<semaphore_mem>>) src(%dma_wait3A_142 : memref<16000xf32, #tpu.memory_space<hbm>>) dst(%arg5 : memref<16000xf32, #tpu.memory_space<vmem>>)
        tpu.yield
      }) : () -> ()
      %scan3A_100 = arith.constant 0 : i32
      %scan3A_101 = arith.constant 125 : i32
      %scan3A_102 = arith.addi %scan3A_100, %scan3A_101 : i32
      %scan3A_103 = arith.constant 1 : i32
      %scan3A_104:8 = scf.for %scan3A_141 = %scan3A_100 to %scan3A_102 step %scan3A_103 iter_args(%scan3A_142 = %broadcast_in_dim3A_5, %scan3A_143 = %broadcast_in_dim3A_5, %scan3A_144 = %broadcast_in_dim3A_5, %scan3A_145 = %broadcast_in_dim3A_5, %scan3A_146 = %broadcast_in_dim3A_5, %scan3A_147 = %broadcast_in_dim3A_5, %scan3A_148 = %broadcast_in_dim3A_5, %scan3A_149 = %broadcast_in_dim3A_5) -> (vector<16xf32>, vector<16xf32>, vector<16xf32>, vector<16xf32>, vector<16xf32>, vector<16xf32>, vector<16xf32>, vector<16xf32>)  : i32 {
        %mul3A_150 = arith.constant 128 : i32
        %mul3A_151 = arith.muli %scan3A_141, %mul3A_150 : i32
        %add3A_152 = arith.constant 0 : i32
        %add3A_153 = arith.addi %mul3A_151, %add3A_152 : i32
        %get3A = arith.index_cast %add3A_153 : i32 to index
        %get3A_154 = tpu.vector_load %arg5[%get3A] {strides = array<i32>} : memref<16000xf32, #tpu.memory_space<vmem>>, vector<16xf32>,
        %get3A_155 = vector.shape_cast %get3A_154 : vector<16xf32> to vector<16xf32>
        %max3A_156 = arith.maximumf %scan3A_142, %get3A_155 : vector<16xf32>
        %mul3A_157 = arith.constant 128 : i32
        %mul3A_158 = arith.muli %scan3A_141, %mul3A_157 : i32
        %add3A_159 = arith.constant 16 : i32
        %add3A_160 = arith.addi %mul3A_158, %add3A_159 : i32
        %get3A_161 = arith.index_cast %add3A_160 : i32 to index
        %get3A_162 = tpu.vector_load %arg5[%get3A_161] {strides = array<i32>} : memref<16000xf32, #tpu.memory_space<vmem>>, vector<16xf32>,
        %get3A_163 = vector.shape_cast %get3A_162 : vector<16xf32> to vector<16xf32>
        %max3A_164 = arith.maximumf %scan3A_143, %get3A_163 : vector<16xf32>
        %mul3A_165 = arith.constant 128 : i32
        %mul3A_166 = arith.muli %scan3A_141, %mul3A_165 : i32
        %add3A_167 = arith.constant 32 : i32
        %add3A_168 = arith.addi %mul3A_166, %add3A_167 : i32
        %get3A_169 = arith.index_cast %add3A_168 : i32 to index
        %get3A_170 = tpu.vector_load %arg5[%get3A_169] {strides = array<i32>} : memref<16000xf32, #tpu.memory_space<vmem>>, vector<16xf32>,
        %get3A_171 = vector.shape_cast %get3A_170 : vector<16xf32> to vector<16xf32>
        %max3A_172 = arith.maximumf %scan3A_144, %get3A_171 : vector<16xf32>
        %mul3A_173 = arith.constant 128 : i32
        %mul3A_174 = arith.muli %scan3A_141, %mul3A_173 : i32
        %add3A_175 = arith.constant 48 : i32
        %add3A_176 = arith.addi %mul3A_174, %add3A_175 : i32
        %get3A_177 = arith.index_cast %add3A_176 : i32 to index
        %get3A_178 = tpu.vector_load %arg5[%get3A_177] {strides = array<i32>} : memref<16000xf32, #tpu.memory_space<vmem>>, vector<16xf32>,
        %get3A_179 = vector.shape_cast %get3A_178 : vector<16xf32> to vector<16xf32>
        %max3A_180 = arith.maximumf %scan3A_145, %get3A_179 : vector<16xf32>
        %mul3A_181 = arith.constant 128 : i32
        %mul3A_182 = arith.muli %scan3A_141, %mul3A_181 : i32
        %add3A_183 = arith.constant 64 : i32
        %add3A_184 = arith.addi %mul3A_182, %add3A_183 : i32
        %get3A_185 = arith.index_cast %add3A_184 : i32 to index
        %get3A_186 = tpu.vector_load %arg5[%get3A_185] {strides = array<i32>} : memref<16000xf32, #tpu.memory_space<vmem>>, vector<16xf32>,
        %get3A_187 = vector.shape_cast %get3A_186 : vector<16xf32> to vector<16xf32>
        %max3A_188 = arith.maximumf %scan3A_146, %get3A_187 : vector<16xf32>
        %mul3A_189 = arith.constant 128 : i32
        %mul3A_190 = arith.muli %scan3A_141, %mul3A_189 : i32
        %add3A_191 = arith.constant 80 : i32
        %add3A_192 = arith.addi %mul3A_190, %add3A_191 : i32
        %get3A_193 = arith.index_cast %add3A_192 : i32 to index
        %get3A_194 = tpu.vector_load %arg5[%get3A_193] {strides = array<i32>} : memref<16000xf32, #tpu.memory_space<vmem>>, vector<16xf32>,
        %get3A_195 = vector.shape_cast %get3A_194 : vector<16xf32> to vector<16xf32>
        %max3A_196 = arith.maximumf %scan3A_147, %get3A_195 : vector<16xf32>
        %mul3A_197 = arith.constant 128 : i32
        %mul3A_198 = arith.muli %scan3A_141, %mul3A_197 : i32
        %add3A_199 = arith.constant 96 : i32
        %add3A_200 = arith.addi %mul3A_198, %add3A_199 : i32
        %get3A_201 = arith.index_cast %add3A_200 : i32 to index
        %get3A_202 = tpu.vector_load %arg5[%get3A_201] {strides = array<i32>} : memref<16000xf32, #tpu.memory_space<vmem>>, vector<16xf32>,
        %get3A_203 = vector.shape_cast %get3A_202 : vector<16xf32> to vector<16xf32>
        %max3A_204 = arith.maximumf %scan3A_148, %get3A_203 : vector<16xf32>
        %mul3A_205 = arith.constant 128 : i32
        %mul3A_206 = arith.muli %scan3A_141, %mul3A_205 : i32
        %add3A_207 = arith.constant 112 : i32
        %add3A_208 = arith.addi %mul3A_206, %add3A_207 : i32
        %get3A_209 = arith.index_cast %add3A_208 : i32 to index
        %get3A_210 = tpu.vector_load %arg5[%get3A_209] {strides = array<i32>} : memref<16000xf32, #tpu.memory_space<vmem>>, vector<16xf32>,
        %get3A_211 = vector.shape_cast %get3A_210 : vector<16xf32> to vector<16xf32>
        %max3A_212 = arith.maximumf %scan3A_149, %get3A_211 : vector<16xf32>
        scf.yield %max3A_156, %max3A_164, %max3A_172, %max3A_180, %max3A_188, %max3A_196, %max3A_204, %max3A_212 : vector<16xf32>, vector<16xf32>, vector<16xf32>, vector<16xf32>, vector<16xf32>, vector<16xf32>, vector<16xf32>, vector<16xf32>
      }
      %scan3A_105 = arith.constant 125 : i32
      %max3A = arith.maximumf %scan3A_81, %scan3A_104#0 : vector<16xf32>
      %max3A_106 = arith.maximumf %scan3A_82, %scan3A_104#1 : vector<16xf32>
      %max3A_107 = arith.maximumf %scan3A_83, %scan3A_104#2 : vector<16xf32>
      %max3A_108 = arith.maximumf %scan3A_84, %scan3A_104#3 : vector<16xf32>
      %max3A_109 = arith.maximumf %scan3A_85, %scan3A_104#4 : vector<16xf32>
      %max3A_110 = arith.maximumf %scan3A_86, %scan3A_104#5 : vector<16xf32>
      %max3A_111 = arith.maximumf %scan3A_87, %scan3A_104#6 : vector<16xf32>
      %max3A_112 = arith.maximumf %scan3A_88, %scan3A_104#7 : vector<16xf32>
      %sub3A = arith.subf %scan3A_81, %max3A : vector<16xf32>
      %exp3A = math.exp %sub3A : vector<16xf32>
      %mul3A_113 = arith.mulf %scan3A_89, %exp3A : vector<16xf32>
      %sub3A_114 = arith.subf %scan3A_82, %max3A_106 : vector<16xf32>
      %exp3A_115 = math.exp %sub3A_114 : vector<16xf32>
      %mul3A_116 = arith.mulf %scan3A_90, %exp3A_115 : vector<16xf32>
      %sub3A_117 = arith.subf %scan3A_83, %max3A_107 : vector<16xf32>
      %exp3A_118 = math.exp %sub3A_117 : vector<16xf32>
      %mul3A_119 = arith.mulf %scan3A_91, %exp3A_118 : vector<16xf32>
      %sub3A_120 = arith.subf %scan3A_84, %max3A_108 : vector<16xf32>
      %exp3A_121 = math.exp %sub3A_120 : vector<16xf32>
      %mul3A_122 = arith.mulf %scan3A_92, %exp3A_121 : vector<16xf32>
      %sub3A_123 = arith.subf %scan3A_85, %max3A_109 : vector<16xf32>
      %exp3A_124 = math.exp %sub3A_123 : vector<16xf32>
      %mul3A_125 = arith.mulf %scan3A_93, %exp3A_124 : vector<16xf32>
      %sub3A_126 = arith.subf %scan3A_86, %max3A_110 : vector<16xf32>
      %exp3A_127 = math.exp %sub3A_126 : vector<16xf32>
      %mul3A_128 = arith.mulf %scan3A_94, %exp3A_127 : vector<16xf32>
      %sub3A_129 = arith.subf %scan3A_87, %max3A_111 : vector<16xf32>
      %exp3A_130 = math.exp %sub3A_129 : vector<16xf32>
      %mul3A_131 = arith.mulf %scan3A_95, %exp3A_130 : vector<16xf32>
      %sub3A_132 = arith.subf %scan3A_88, %max3A_112 : vector<16xf32>
      %exp3A_133 = math.exp %sub3A_132 : vector<16xf32>
      %mul3A_134 = arith.mulf %scan3A_96, %exp3A_133 : vector<16xf32>
      %scan3A_135 = arith.constant 0 : i32
      %scan3A_136 = arith.constant 125 : i32
      %scan3A_137 = arith.addi %scan3A_135, %scan3A_136 : i32
      %scan3A_138 = arith.constant 1 : i32
      %scan3A_139:8 = scf.for %scan3A_141 = %scan3A_135 to %scan3A_137 step %scan3A_138 iter_args(%scan3A_142 = %mul3A_113, %scan3A_143 = %mul3A_116, %scan3A_144 = %mul3A_119, %scan3A_145 = %mul3A_122, %scan3A_146 = %mul3A_125, %scan3A_147 = %mul3A_128, %scan3A_148 = %mul3A_131, %scan3A_149 = %mul3A_134) -> (vector<16xf32>, vector<16xf32>, vector<16xf32>, vector<16xf32>, vector<16xf32>, vector<16xf32>, vector<16xf32>, vector<16xf32>)  : i32 {
        %mul3A_150 = arith.constant 128 : i32
        %mul3A_151 = arith.muli %scan3A_141, %mul3A_150 : i32
        %add3A_152 = arith.constant 0 : i32
        %add3A_153 = arith.addi %mul3A_151, %add3A_152 : i32
        %get3A = arith.index_cast %add3A_153 : i32 to index
        %get3A_154 = tpu.vector_load %arg5[%get3A] {strides = array<i32>} : memref<16000xf32, #tpu.memory_space<vmem>>, vector<16xf32>,
        %get3A_155 = vector.shape_cast %get3A_154 : vector<16xf32> to vector<16xf32>
        %sub3A_156 = arith.subf %get3A_155, %max3A : vector<16xf32>
        %exp3A_157 = math.exp %sub3A_156 : vector<16xf32>
        %add3A_158 = arith.addf %scan3A_142, %exp3A_157 : vector<16xf32>
        %mul3A_159 = arith.constant 128 : i32
        %mul3A_160 = arith.muli %scan3A_141, %mul3A_159 : i32
        %add3A_161 = arith.constant 16 : i32
        %add3A_162 = arith.addi %mul3A_160, %add3A_161 : i32
        %get3A_163 = arith.index_cast %add3A_162 : i32 to index
        %get3A_164 = tpu.vector_load %arg5[%get3A_163] {strides = array<i32>} : memref<16000xf32, #tpu.memory_space<vmem>>, vector<16xf32>,
        %get3A_165 = vector.shape_cast %get3A_164 : vector<16xf32> to vector<16xf32>
        %sub3A_166 = arith.subf %get3A_165, %max3A_106 : vector<16xf32>
        %exp3A_167 = math.exp %sub3A_166 : vector<16xf32>
        %add3A_168 = arith.addf %scan3A_143, %exp3A_167 : vector<16xf32>
        %mul3A_169 = arith.constant 128 : i32
        %mul3A_170 = arith.muli %scan3A_141, %mul3A_169 : i32
        %add3A_171 = arith.constant 32 : i32
        %add3A_172 = arith.addi %mul3A_170, %add3A_171 : i32
        %get3A_173 = arith.index_cast %add3A_172 : i32 to index
        %get3A_174 = tpu.vector_load %arg5[%get3A_173] {strides = array<i32>} : memref<16000xf32, #tpu.memory_space<vmem>>, vector<16xf32>,
        %get3A_175 = vector.shape_cast %get3A_174 : vector<16xf32> to vector<16xf32>
        %sub3A_176 = arith.subf %get3A_175, %max3A_107 : vector<16xf32>
        %exp3A_177 = math.exp %sub3A_176 : vector<16xf32>
        %add3A_178 = arith.addf %scan3A_144, %exp3A_177 : vector<16xf32>
        %mul3A_179 = arith.constant 128 : i32
        %mul3A_180 = arith.muli %scan3A_141, %mul3A_179 : i32
        %add3A_181 = arith.constant 48 : i32
        %add3A_182 = arith.addi %mul3A_180, %add3A_181 : i32
        %get3A_183 = arith.index_cast %add3A_182 : i32 to index
        %get3A_184 = tpu.vector_load %arg5[%get3A_183] {strides = array<i32>} : memref<16000xf32, #tpu.memory_space<vmem>>, vector<16xf32>,
        %get3A_185 = vector.shape_cast %get3A_184 : vector<16xf32> to vector<16xf32>
        %sub3A_186 = arith.subf %get3A_185, %max3A_108 : vector<16xf32>
        %exp3A_187 = math.exp %sub3A_186 : vector<16xf32>
        %add3A_188 = arith.addf %scan3A_145, %exp3A_187 : vector<16xf32>
        %mul3A_189 = arith.constant 128 : i32
        %mul3A_190 = arith.muli %scan3A_141, %mul3A_189 : i32
        %add3A_191 = arith.constant 64 : i32
        %add3A_192 = arith.addi %mul3A_190, %add3A_191 : i32
        %get3A_193 = arith.index_cast %add3A_192 : i32 to index
        %get3A_194 = tpu.vector_load %arg5[%get3A_193] {strides = array<i32>} : memref<16000xf32, #tpu.memory_space<vmem>>, vector<16xf32>,
        %get3A_195 = vector.shape_cast %get3A_194 : vector<16xf32> to vector<16xf32>
        %sub3A_196 = arith.subf %get3A_195, %max3A_109 : vector<16xf32>
        %exp3A_197 = math.exp %sub3A_196 : vector<16xf32>
        %add3A_198 = arith.addf %scan3A_146, %exp3A_197 : vector<16xf32>
        %mul3A_199 = arith.constant 128 : i32
        %mul3A_200 = arith.muli %scan3A_141, %mul3A_199 : i32
        %add3A_201 = arith.constant 80 : i32
        %add3A_202 = arith.addi %mul3A_200, %add3A_201 : i32
        %get3A_203 = arith.index_cast %add3A_202 : i32 to index
        %get3A_204 = tpu.vector_load %arg5[%get3A_203] {strides = array<i32>} : memref<16000xf32, #tpu.memory_space<vmem>>, vector<16xf32>,
        %get3A_205 = vector.shape_cast %get3A_204 : vector<16xf32> to vector<16xf32>
        %sub3A_206 = arith.subf %get3A_205, %max3A_110 : vector<16xf32>
        %exp3A_207 = math.exp %sub3A_206 : vector<16xf32>
        %add3A_208 = arith.addf %scan3A_147, %exp3A_207 : vector<16xf32>
        %mul3A_209 = arith.constant 128 : i32
        %mul3A_210 = arith.muli %scan3A_141, %mul3A_209 : i32
        %add3A_211 = arith.constant 96 : i32
        %add3A_212 = arith.addi %mul3A_210, %add3A_211 : i32
        %get3A_213 = arith.index_cast %add3A_212 : i32 to index
        %get3A_214 = tpu.vector_load %arg5[%get3A_213] {strides = array<i32>} : memref<16000xf32, #tpu.memory_space<vmem>>, vector<16xf32>,
        %get3A_215 = vector.shape_cast %get3A_214 : vector<16xf32> to vector<16xf32>
        %sub3A_216 = arith.subf %get3A_215, %max3A_111 : vector<16xf32>
        %exp3A_217 = math.exp %sub3A_216 : vector<16xf32>
        %add3A_218 = arith.addf %scan3A_148, %exp3A_217 : vector<16xf32>
        %mul3A_219 = arith.constant 128 : i32
        %mul3A_220 = arith.muli %scan3A_141, %mul3A_219 : i32
        %add3A_221 = arith.constant 112 : i32
        %add3A_222 = arith.addi %mul3A_220, %add3A_221 : i32
        %get3A_223 = arith.index_cast %add3A_222 : i32 to index
        %get3A_224 = tpu.vector_load %arg5[%get3A_223] {strides = array<i32>} : memref<16000xf32, #tpu.memory_space<vmem>>, vector<16xf32>,
        %get3A_225 = vector.shape_cast %get3A_224 : vector<16xf32> to vector<16xf32>
        %sub3A_226 = arith.subf %get3A_225, %max3A_112 : vector<16xf32>
        %exp3A_227 = math.exp %sub3A_226 : vector<16xf32>
        %add3A_228 = arith.addf %scan3A_149, %exp3A_227 : vector<16xf32>
        scf.yield %add3A_158, %add3A_168, %add3A_178, %add3A_188, %add3A_198, %add3A_208, %add3A_218, %add3A_228 : vector<16xf32>, vector<16xf32>, vector<16xf32>, vector<16xf32>, vector<16xf32>, vector<16xf32>, vector<16xf32>, vector<16xf32>
      }
      %scan3A_140 = arith.constant 125 : i32
      scf.yield %max3A, %max3A_106, %max3A_107, %max3A_108, %max3A_109, %max3A_110, %max3A_111, %max3A_112, %scan3A_139#0, %scan3A_139#1, %scan3A_139#2, %scan3A_139#3, %scan3A_139#4, %scan3A_139#5, %scan3A_139#6, %scan3A_139#7 : vector<16xf32>, vector<16xf32>, vector<16xf32>, vector<16xf32>, vector<16xf32>, vector<16xf32>, vector<16xf32>, vector<16xf32>, vector<16xf32>, vector<16xf32>, vector<16xf32>, vector<16xf32>, vector<16xf32>, vector<16xf32>, vector<16xf32>, vector<16xf32>
    }
    %scan3A_12 = arith.constant 25 : i32
    %swap3A = arith.constant 0 : index
    %swap3A_13 = tpu.vector_load %arg6[%swap3A] {strides = array<i32>} : memref<256xf32, #tpu.memory_space<vmem>>, vector<16xf32>,
    %swap3A_14 = vector.shape_cast %swap3A_13 : vector<16xf32> to vector<16xf32>
    %swap3A_15 = vector.shape_cast %scan3A_11#0 : vector<16xf32> to vector<16xf32>
    tpu.vector_store %arg6[%swap3A], %swap3A_15 {strides = array<i32>} : memref<256xf32, #tpu.memory_space<vmem>>, vector<16xf32>,
    %swap3A_16 = arith.constant 128 : index
    %swap3A_17 = tpu.vector_load %arg6[%swap3A_16] {strides = array<i32>} : memref<256xf32, #tpu.memory_space<vmem>>, vector<16xf32>,
    %swap3A_18 = vector.shape_cast %swap3A_17 : vector<16xf32> to vector<16xf32>
    %swap3A_19 = vector.shape_cast %scan3A_11#8 : vector<16xf32> to vector<16xf32>
    tpu.vector_store %arg6[%swap3A_16], %swap3A_19 {strides = array<i32>} : memref<256xf32, #tpu.memory_space<vmem>>, vector<16xf32>,
    %swap3A_20 = arith.constant 16 : index
    %swap3A_21 = tpu.vector_load %arg6[%swap3A_20] {strides = array<i32>} : memref<256xf32, #tpu.memory_space<vmem>>, vector<16xf32>,
    %swap3A_22 = vector.shape_cast %swap3A_21 : vector<16xf32> to vector<16xf32>
    %swap3A_23 = vector.shape_cast %scan3A_11#1 : vector<16xf32> to vector<16xf32>
    tpu.vector_store %arg6[%swap3A_20], %swap3A_23 {strides = array<i32>} : memref<256xf32, #tpu.memory_space<vmem>>, vector<16xf32>,
    %swap3A_24 = arith.constant 144 : index
    %swap3A_25 = tpu.vector_load %arg6[%swap3A_24] {strides = array<i32>} : memref<256xf32, #tpu.memory_space<vmem>>, vector<16xf32>,
    %swap3A_26 = vector.shape_cast %swap3A_25 : vector<16xf32> to vector<16xf32>
    %swap3A_27 = vector.shape_cast %scan3A_11#9 : vector<16xf32> to vector<16xf32>
    tpu.vector_store %arg6[%swap3A_24], %swap3A_27 {strides = array<i32>} : memref<256xf32, #tpu.memory_space<vmem>>, vector<16xf32>,
    %swap3A_28 = arith.constant 32 : index
    %swap3A_29 = tpu.vector_load %arg6[%swap3A_28] {strides = array<i32>} : memref<256xf32, #tpu.memory_space<vmem>>, vector<16xf32>,
    %swap3A_30 = vector.shape_cast %swap3A_29 : vector<16xf32> to vector<16xf32>
    %swap3A_31 = vector.shape_cast %scan3A_11#2 : vector<16xf32> to vector<16xf32>
    tpu.vector_store %arg6[%swap3A_28], %swap3A_31 {strides = array<i32>} : memref<256xf32, #tpu.memory_space<vmem>>, vector<16xf32>,
    %swap3A_32 = arith.constant 160 : index
    %swap3A_33 = tpu.vector_load %arg6[%swap3A_32] {strides = array<i32>} : memref<256xf32, #tpu.memory_space<vmem>>, vector<16xf32>,
    %swap3A_34 = vector.shape_cast %swap3A_33 : vector<16xf32> to vector<16xf32>
    %swap3A_35 = vector.shape_cast %scan3A_11#10 : vector<16xf32> to vector<16xf32>
    tpu.vector_store %arg6[%swap3A_32], %swap3A_35 {strides = array<i32>} : memref<256xf32, #tpu.memory_space<vmem>>, vector<16xf32>,
    %swap3A_36 = arith.constant 48 : index
    %swap3A_37 = tpu.vector_load %arg6[%swap3A_36] {strides = array<i32>} : memref<256xf32, #tpu.memory_space<vmem>>, vector<16xf32>,
    %swap3A_38 = vector.shape_cast %swap3A_37 : vector<16xf32> to vector<16xf32>
    %swap3A_39 = vector.shape_cast %scan3A_11#3 : vector<16xf32> to vector<16xf32>
    tpu.vector_store %arg6[%swap3A_36], %swap3A_39 {strides = array<i32>} : memref<256xf32, #tpu.memory_space<vmem>>, vector<16xf32>,
    %swap3A_40 = arith.constant 176 : index
    %swap3A_41 = tpu.vector_load %arg6[%swap3A_40] {strides = array<i32>} : memref<256xf32, #tpu.memory_space<vmem>>, vector<16xf32>,
    %swap3A_42 = vector.shape_cast %swap3A_41 : vector<16xf32> to vector<16xf32>
    %swap3A_43 = vector.shape_cast %scan3A_11#11 : vector<16xf32> to vector<16xf32>
    tpu.vector_store %arg6[%swap3A_40], %swap3A_43 {strides = array<i32>} : memref<256xf32, #tpu.memory_space<vmem>>, vector<16xf32>,
    %swap3A_44 = arith.constant 64 : index
    %swap3A_45 = tpu.vector_load %arg6[%swap3A_44] {strides = array<i32>} : memref<256xf32, #tpu.memory_space<vmem>>, vector<16xf32>,
    %swap3A_46 = vector.shape_cast %swap3A_45 : vector<16xf32> to vector<16xf32>
    %swap3A_47 = vector.shape_cast %scan3A_11#4 : vector<16xf32> to vector<16xf32>
    tpu.vector_store %arg6[%swap3A_44], %swap3A_47 {strides = array<i32>} : memref<256xf32, #tpu.memory_space<vmem>>, vector<16xf32>,
    %swap3A_48 = arith.constant 192 : index
    %swap3A_49 = tpu.vector_load %arg6[%swap3A_48] {strides = array<i32>} : memref<256xf32, #tpu.memory_space<vmem>>, vector<16xf32>,
    %swap3A_50 = vector.shape_cast %swap3A_49 : vector<16xf32> to vector<16xf32>
    %swap3A_51 = vector.shape_cast %scan3A_11#12 : vector<16xf32> to vector<16xf32>
    tpu.vector_store %arg6[%swap3A_48], %swap3A_51 {strides = array<i32>} : memref<256xf32, #tpu.memory_space<vmem>>, vector<16xf32>,
    %swap3A_52 = arith.constant 80 : index
    %swap3A_53 = tpu.vector_load %arg6[%swap3A_52] {strides = array<i32>} : memref<256xf32, #tpu.memory_space<vmem>>, vector<16xf32>,
    %swap3A_54 = vector.shape_cast %swap3A_53 : vector<16xf32> to vector<16xf32>
    %swap3A_55 = vector.shape_cast %scan3A_11#5 : vector<16xf32> to vector<16xf32>
    tpu.vector_store %arg6[%swap3A_52], %swap3A_55 {strides = array<i32>} : memref<256xf32, #tpu.memory_space<vmem>>, vector<16xf32>,
    %swap3A_56 = arith.constant 208 : index
    %swap3A_57 = tpu.vector_load %arg6[%swap3A_56] {strides = array<i32>} : memref<256xf32, #tpu.memory_space<vmem>>, vector<16xf32>,
    %swap3A_58 = vector.shape_cast %swap3A_57 : vector<16xf32> to vector<16xf32>
    %swap3A_59 = vector.shape_cast %scan3A_11#13 : vector<16xf32> to vector<16xf32>
    tpu.vector_store %arg6[%swap3A_56], %swap3A_59 {strides = array<i32>} : memref<256xf32, #tpu.memory_space<vmem>>, vector<16xf32>,
    %swap3A_60 = arith.constant 96 : index
    %swap3A_61 = tpu.vector_load %arg6[%swap3A_60] {strides = array<i32>} : memref<256xf32, #tpu.memory_space<vmem>>, vector<16xf32>,
    %swap3A_62 = vector.shape_cast %swap3A_61 : vector<16xf32> to vector<16xf32>
    %swap3A_63 = vector.shape_cast %scan3A_11#6 : vector<16xf32> to vector<16xf32>
    tpu.vector_store %arg6[%swap3A_60], %swap3A_63 {strides = array<i32>} : memref<256xf32, #tpu.memory_space<vmem>>, vector<16xf32>,
    %swap3A_64 = arith.constant 224 : index
    %swap3A_65 = tpu.vector_load %arg6[%swap3A_64] {strides = array<i32>} : memref<256xf32, #tpu.memory_space<vmem>>, vector<16xf32>,
    %swap3A_66 = vector.shape_cast %swap3A_65 : vector<16xf32> to vector<16xf32>
    %swap3A_67 = vector.shape_cast %scan3A_11#14 : vector<16xf32> to vector<16xf32>
    tpu.vector_store %arg6[%swap3A_64], %swap3A_67 {strides = array<i32>} : memref<256xf32, #tpu.memory_space<vmem>>, vector<16xf32>,
    %swap3A_68 = arith.constant 112 : index
    %swap3A_69 = tpu.vector_load %arg6[%swap3A_68] {strides = array<i32>} : memref<256xf32, #tpu.memory_space<vmem>>, vector<16xf32>,
    %swap3A_70 = vector.shape_cast %swap3A_69 : vector<16xf32> to vector<16xf32>
    %swap3A_71 = vector.shape_cast %scan3A_11#7 : vector<16xf32> to vector<16xf32>
    tpu.vector_store %arg6[%swap3A_68], %swap3A_71 {strides = array<i32>} : memref<256xf32, #tpu.memory_space<vmem>>, vector<16xf32>,
    %swap3A_72 = arith.constant 240 : index
    %swap3A_73 = tpu.vector_load %arg6[%swap3A_72] {strides = array<i32>} : memref<256xf32, #tpu.memory_space<vmem>>, vector<16xf32>,
    %swap3A_74 = vector.shape_cast %swap3A_73 : vector<16xf32> to vector<16xf32>
    %swap3A_75 = vector.shape_cast %scan3A_11#15 : vector<16xf32> to vector<16xf32>
    tpu.vector_store %arg6[%swap3A_72], %swap3A_75 {strides = array<i32>} : memref<256xf32, #tpu.memory_space<vmem>>, vector<16xf32>,
    %mul3A_76 = arith.constant 128 : i32
    %mul3A_77 = arith.muli %add3A, %mul3A_76 : i32
    "tpu.region"() ({
      %run_scoped3A = tpu.sem_alloc : memref<!tpu.dma_semaphore, #tpu.memory_space<semaphore_mem>>
      %dma_start3A = arith.constant 0 : i32
      %dma_start3A_80 = tpu.memref_slice %arg6[%dma_start3A] : memref<256xf32, #tpu.memory_space<vmem>> -> memref<128xf32, #tpu.memory_space<vmem>>
      %dma_start3A_81 = tpu.memref_slice %arg3[%mul3A_77] : memref<4096xf32, #tpu.memory_space<hbm>> -> memref<128xf32, #tpu.memory_space<hbm>>
      %dma_start3A_82 = tpu.memref_slice %arg3[%mul3A_77] : memref<4096xf32, #tpu.memory_space<hbm>> -> memref<128xf32, #tpu.memory_space<hbm>>
      %dma_start3A_83 = arith.constant 0 : i32
      %dma_start3A_84 = tpu.memref_slice %arg6[%dma_start3A_83] : memref<256xf32, #tpu.memory_space<vmem>> -> memref<128xf32, #tpu.memory_space<vmem>>
      tpu.enqueue_dma source(%dma_start3A_84 : memref<128xf32, #tpu.memory_space<vmem>>) target(%dma_start3A_82 : memref<128xf32, #tpu.memory_space<hbm>>) target_semaphore(%run_scoped3A : memref<!tpu.dma_semaphore, #tpu.memory_space<semaphore_mem>>)
      %dma_wait3A = arith.constant 0 : i32
      %dma_wait3A_85 = tpu.memref_slice %arg6[%dma_wait3A] : memref<256xf32, #tpu.memory_space<vmem>> -> memref<128xf32, #tpu.memory_space<vmem>>
      %dma_wait3A_86 = tpu.memref_slice %arg3[%mul3A_77] : memref<4096xf32, #tpu.memory_space<hbm>> -> memref<128xf32, #tpu.memory_space<hbm>>
      %dma_wait3A_87 = tpu.memref_slice %arg3[%mul3A_77] : memref<4096xf32, #tpu.memory_space<hbm>> -> memref<128xf32, #tpu.memory_space<hbm>>
      %dma_wait3A_88 = arith.constant 0 : i32
      %dma_wait3A_89 = tpu.memref_slice %arg6[%dma_wait3A_88] : memref<256xf32, #tpu.memory_space<vmem>> -> memref<128xf32, #tpu.memory_space<vmem>>
      tpu.wait_dma2 semaphore(%run_scoped3A : memref<!tpu.dma_semaphore, #tpu.memory_space<semaphore_mem>>) src(%dma_wait3A_89 : memref<128xf32, #tpu.memory_space<vmem>>) dst(%dma_wait3A_87 : memref<128xf32, #tpu.memory_space<hbm>>)
      tpu.yield
    }) : () -> ()
    %mul3A_78 = arith.constant 128 : i32
    %mul3A_79 = arith.muli %add3A, %mul3A_78 : i32
    "tpu.region"() ({
      %run_scoped3A = tpu.sem_alloc : memref<!tpu.dma_semaphore, #tpu.memory_space<semaphore_mem>>
      %dma_start3A = arith.constant 128 : i32
      %dma_start3A_80 = tpu.memref_slice %arg6[%dma_start3A] : memref<256xf32, #tpu.memory_space<vmem>> -> memref<128xf32, #tpu.memory_space<vmem>>
      %dma_start3A_81 = tpu.memref_slice %arg4[%mul3A_79] : memref<4096xf32, #tpu.memory_space<hbm>> -> memref<128xf32, #tpu.memory_space<hbm>>
      %dma_start3A_82 = tpu.memref_slice %arg4[%mul3A_79] : memref<4096xf32, #tpu.memory_space<hbm>> -> memref<128xf32, #tpu.memory_space<hbm>>
      %dma_start3A_83 = arith.constant 128 : i32
      %dma_start3A_84 = tpu.memref_slice %arg6[%dma_start3A_83] : memref<256xf32, #tpu.memory_space<vmem>> -> memref<128xf32, #tpu.memory_space<vmem>>
      tpu.enqueue_dma source(%dma_start3A_84 : memref<128xf32, #tpu.memory_space<vmem>>) target(%dma_start3A_82 : memref<128xf32, #tpu.memory_space<hbm>>) target_semaphore(%run_scoped3A : memref<!tpu.dma_semaphore, #tpu.memory_space<semaphore_mem>>)
      %dma_wait3A = arith.constant 128 : i32
      %dma_wait3A_85 = tpu.memref_slice %arg6[%dma_wait3A] : memref<256xf32, #tpu.memory_space<vmem>> -> memref<128xf32, #tpu.memory_space<vmem>>
      %dma_wait3A_86 = tpu.memref_slice %arg4[%mul3A_79] : memref<4096xf32, #tpu.memory_space<hbm>> -> memref<128xf32, #tpu.memory_space<hbm>>
      %dma_wait3A_87 = tpu.memref_slice %arg4[%mul3A_79] : memref<4096xf32, #tpu.memory_space<hbm>> -> memref<128xf32, #tpu.memory_space<hbm>>
      %dma_wait3A_88 = arith.constant 128 : i32
      %dma_wait3A_89 = tpu.memref_slice %arg6[%dma_wait3A_88] : memref<256xf32, #tpu.memory_space<vmem>> -> memref<128xf32, #tpu.memory_space<vmem>>
      tpu.wait_dma2 semaphore(%run_scoped3A : memref<!tpu.dma_semaphore, #tpu.memory_space<semaphore_mem>>) src(%dma_wait3A_89 : memref<128xf32, #tpu.memory_space<vmem>>) dst(%dma_wait3A_87 : memref<128xf32, #tpu.memory_space<hbm>>)
      tpu.yield
    }) : () -> ()
    return
  }
}

#map = affine_map<(d0, d1) -> (0)>
module attributes {stable_mosaic.version = 14 : i64} {
  func.func @_scale_body(%arg0: i32, %arg1: i32, %arg2: memref<12800000xf32, #tpu.memory_space<hbm>>, %arg3: memref<256xf32, #tpu.memory_space<hbm>>, %arg4: memref<12800000xf32, #tpu.memory_space<hbm>>, %arg5: memref<16000xf32, #tpu.memory_space<vmem>>, %arg6: memref<256xf32, #tpu.memory_space<vmem>>) attributes {dimension_semantics = [#tpu.dimension_semantics<core_parallel>, #tpu.dimension_semantics<subcore_parallel>], iteration_bounds = array<i64: 2, 16>, scalar_prefetch = 0 : i64, scratch_operands = 2 : i64, tpu.core_type = #tpu.core_type<sc_vector_subcore>, window_params = [{transform_indices = #map}, {transform_indices = #map}, {transform_indices = #map}]} {
    %mul3A = arith.constant 2 : i32
    %mul3A_0 = arith.muli %arg1, %mul3A : i32
    %add3A = arith.addi %mul3A_0, %arg0 : i32
    %mul3A_1 = arith.constant 3125 : i32
    %mul3A_2 = arith.muli %add3A, %mul3A_1 : i32
    %mul3A_3 = arith.constant 128 : i32
    %mul3A_4 = arith.muli %mul3A_2, %mul3A_3 : i32
    "tpu.region"() ({
      %run_scoped3A = tpu.sem_alloc : memref<!tpu.dma_semaphore, #tpu.memory_space<semaphore_mem>>
      tpu.enqueue_dma source(%arg3 : memref<256xf32, #tpu.memory_space<hbm>>) target(%arg6 : memref<256xf32, #tpu.memory_space<vmem>>) target_semaphore(%run_scoped3A : memref<!tpu.dma_semaphore, #tpu.memory_space<semaphore_mem>>)
      tpu.wait_dma2 semaphore(%run_scoped3A : memref<!tpu.dma_semaphore, #tpu.memory_space<semaphore_mem>>) src(%arg3 : memref<256xf32, #tpu.memory_space<hbm>>) dst(%arg6 : memref<256xf32, #tpu.memory_space<vmem>>)
      tpu.yield
    }) : () -> ()
    %get3A = arith.constant 0 : index
    %get3A_5 = tpu.vector_load %arg6[%get3A] {strides = array<i32>} : memref<256xf32, #tpu.memory_space<vmem>>, vector<16xf32>,
    %get3A_6 = vector.shape_cast %get3A_5 : vector<16xf32> to vector<16xf32>
    %get3A_7 = arith.constant 16 : index
    %get3A_8 = tpu.vector_load %arg6[%get3A_7] {strides = array<i32>} : memref<256xf32, #tpu.memory_space<vmem>>, vector<16xf32>,
    %get3A_9 = vector.shape_cast %get3A_8 : vector<16xf32> to vector<16xf32>
    %get3A_10 = arith.constant 32 : index
    %get3A_11 = tpu.vector_load %arg6[%get3A_10] {strides = array<i32>} : memref<256xf32, #tpu.memory_space<vmem>>, vector<16xf32>,
    %get3A_12 = vector.shape_cast %get3A_11 : vector<16xf32> to vector<16xf32>
    %get3A_13 = arith.constant 48 : index
    %get3A_14 = tpu.vector_load %arg6[%get3A_13] {strides = array<i32>} : memref<256xf32, #tpu.memory_space<vmem>>, vector<16xf32>,
    %get3A_15 = vector.shape_cast %get3A_14 : vector<16xf32> to vector<16xf32>
    %get3A_16 = arith.constant 64 : index
    %get3A_17 = tpu.vector_load %arg6[%get3A_16] {strides = array<i32>} : memref<256xf32, #tpu.memory_space<vmem>>, vector<16xf32>,
    %get3A_18 = vector.shape_cast %get3A_17 : vector<16xf32> to vector<16xf32>
    %get3A_19 = arith.constant 80 : index
    %get3A_20 = tpu.vector_load %arg6[%get3A_19] {strides = array<i32>} : memref<256xf32, #tpu.memory_space<vmem>>, vector<16xf32>,
    %get3A_21 = vector.shape_cast %get3A_20 : vector<16xf32> to vector<16xf32>
    %get3A_22 = arith.constant 96 : index
    %get3A_23 = tpu.vector_load %arg6[%get3A_22] {strides = array<i32>} : memref<256xf32, #tpu.memory_space<vmem>>, vector<16xf32>,
    %get3A_24 = vector.shape_cast %get3A_23 : vector<16xf32> to vector<16xf32>
    %get3A_25 = arith.constant 112 : index
    %get3A_26 = tpu.vector_load %arg6[%get3A_25] {strides = array<i32>} : memref<256xf32, #tpu.memory_space<vmem>>, vector<16xf32>,
    %get3A_27 = vector.shape_cast %get3A_26 : vector<16xf32> to vector<16xf32>
    %get3A_28 = arith.constant 128 : index
    %get3A_29 = tpu.vector_load %arg6[%get3A_28] {strides = array<i32>} : memref<256xf32, #tpu.memory_space<vmem>>, vector<16xf32>,
    %get3A_30 = vector.shape_cast %get3A_29 : vector<16xf32> to vector<16xf32>
    %get3A_31 = arith.constant 144 : index
    %get3A_32 = tpu.vector_load %arg6[%get3A_31] {strides = array<i32>} : memref<256xf32, #tpu.memory_space<vmem>>, vector<16xf32>,
    %get3A_33 = vector.shape_cast %get3A_32 : vector<16xf32> to vector<16xf32>
    %get3A_34 = arith.constant 160 : index
    %get3A_35 = tpu.vector_load %arg6[%get3A_34] {strides = array<i32>} : memref<256xf32, #tpu.memory_space<vmem>>, vector<16xf32>,
    %get3A_36 = vector.shape_cast %get3A_35 : vector<16xf32> to vector<16xf32>
    %get3A_37 = arith.constant 176 : index
    %get3A_38 = tpu.vector_load %arg6[%get3A_37] {strides = array<i32>} : memref<256xf32, #tpu.memory_space<vmem>>, vector<16xf32>,
    %get3A_39 = vector.shape_cast %get3A_38 : vector<16xf32> to vector<16xf32>
    %get3A_40 = arith.constant 192 : index
    %get3A_41 = tpu.vector_load %arg6[%get3A_40] {strides = array<i32>} : memref<256xf32, #tpu.memory_space<vmem>>, vector<16xf32>,
    %get3A_42 = vector.shape_cast %get3A_41 : vector<16xf32> to vector<16xf32>
    %get3A_43 = arith.constant 208 : index
    %get3A_44 = tpu.vector_load %arg6[%get3A_43] {strides = array<i32>} : memref<256xf32, #tpu.memory_space<vmem>>, vector<16xf32>,
    %get3A_45 = vector.shape_cast %get3A_44 : vector<16xf32> to vector<16xf32>
    %get3A_46 = arith.constant 224 : index
    %get3A_47 = tpu.vector_load %arg6[%get3A_46] {strides = array<i32>} : memref<256xf32, #tpu.memory_space<vmem>>, vector<16xf32>,
    %get3A_48 = vector.shape_cast %get3A_47 : vector<16xf32> to vector<16xf32>
    %get3A_49 = arith.constant 240 : index
    %get3A_50 = tpu.vector_load %arg6[%get3A_49] {strides = array<i32>} : memref<256xf32, #tpu.memory_space<vmem>>, vector<16xf32>,
    %get3A_51 = vector.shape_cast %get3A_50 : vector<16xf32> to vector<16xf32>
    %scan3A = arith.constant 0 : i32
    %scan3A_52 = arith.constant 0 : i32
    %scan3A_53 = arith.constant 25 : i32
    %scan3A_54 = arith.addi %scan3A_52, %scan3A_53 : i32
    %scan3A_55 = arith.constant 1 : i32
    scf.for %scan3A_57 = %scan3A_52 to %scan3A_54 step %scan3A_55  : i32 {
      %mul3A_58 = arith.constant 16000 : i32
      %mul3A_59 = arith.muli %scan3A_57, %mul3A_58 : i32
      %add3A_60 = arith.addi %mul3A_4, %mul3A_59 : i32
      "tpu.region"() ({
        %run_scoped3A = tpu.sem_alloc : memref<!tpu.dma_semaphore, #tpu.memory_space<semaphore_mem>>
        %dma_start3A = tpu.memref_slice %arg2[%add3A_60] : memref<12800000xf32, #tpu.memory_space<hbm>> -> memref<16000xf32, #tpu.memory_space<hbm>>
        %dma_start3A_70 = tpu.memref_slice %arg2[%add3A_60] : memref<12800000xf32, #tpu.memory_space<hbm>> -> memref<16000xf32, #tpu.memory_space<hbm>>
        tpu.enqueue_dma source(%dma_start3A_70 : memref<16000xf32, #tpu.memory_space<hbm>>) target(%arg5 : memref<16000xf32, #tpu.memory_space<vmem>>) target_semaphore(%run_scoped3A : memref<!tpu.dma_semaphore, #tpu.memory_space<semaphore_mem>>)
        %dma_wait3A = tpu.memref_slice %arg2[%add3A_60] : memref<12800000xf32, #tpu.memory_space<hbm>> -> memref<16000xf32, #tpu.memory_space<hbm>>
        %dma_wait3A_71 = tpu.memref_slice %arg2[%add3A_60] : memref<12800000xf32, #tpu.memory_space<hbm>> -> memref<16000xf32, #tpu.memory_space<hbm>>
        tpu.wait_dma2 semaphore(%run_scoped3A : memref<!tpu.dma_semaphore, #tpu.memory_space<semaphore_mem>>) src(%dma_wait3A_71 : memref<16000xf32, #tpu.memory_space<hbm>>) dst(%arg5 : memref<16000xf32, #tpu.memory_space<vmem>>)
        tpu.yield
      }) : () -> ()
      %scan3A_61 = arith.constant 0 : i32
      %scan3A_62 = arith.constant 0 : i32
      %scan3A_63 = arith.constant 125 : i32
      %scan3A_64 = arith.addi %scan3A_62, %scan3A_63 : i32
      %scan3A_65 = arith.constant 1 : i32
      scf.for %scan3A_70 = %scan3A_62 to %scan3A_64 step %scan3A_65  : i32 {
        %mul3A_71 = arith.constant 128 : i32
        %mul3A_72 = arith.muli %scan3A_70, %mul3A_71 : i32
        %add3A_73 = arith.constant 0 : i32
        %add3A_74 = arith.addi %mul3A_72, %add3A_73 : i32
        %get3A_75 = arith.index_cast %add3A_74 : i32 to index
        %get3A_76 = tpu.vector_load %arg5[%get3A_75] {strides = array<i32>} : memref<16000xf32, #tpu.memory_space<vmem>>, vector<16xf32>,
        %get3A_77 = vector.shape_cast %get3A_76 : vector<16xf32> to vector<16xf32>
        %sub3A = arith.subf %get3A_77, %get3A_6 : vector<16xf32>
        %exp3A = math.exp %sub3A : vector<16xf32>
        %mul3A_78 = arith.mulf %exp3A, %get3A_30 : vector<16xf32>
        %swap3A = arith.index_cast %add3A_74 : i32 to index
        %swap3A_79 = tpu.vector_load %arg5[%swap3A] {strides = array<i32>} : memref<16000xf32, #tpu.memory_space<vmem>>, vector<16xf32>,
        %swap3A_80 = vector.shape_cast %swap3A_79 : vector<16xf32> to vector<16xf32>
        %swap3A_81 = vector.shape_cast %mul3A_78 : vector<16xf32> to vector<16xf32>
        tpu.vector_store %arg5[%swap3A], %swap3A_81 {strides = array<i32>} : memref<16000xf32, #tpu.memory_space<vmem>>, vector<16xf32>,
        %mul3A_82 = arith.constant 128 : i32
        %mul3A_83 = arith.muli %scan3A_70, %mul3A_82 : i32
        %add3A_84 = arith.constant 16 : i32
        %add3A_85 = arith.addi %mul3A_83, %add3A_84 : i32
        %get3A_86 = arith.index_cast %add3A_85 : i32 to index
        %get3A_87 = tpu.vector_load %arg5[%get3A_86] {strides = array<i32>} : memref<16000xf32, #tpu.memory_space<vmem>>, vector<16xf32>,
        %get3A_88 = vector.shape_cast %get3A_87 : vector<16xf32> to vector<16xf32>
        %sub3A_89 = arith.subf %get3A_88, %get3A_9 : vector<16xf32>
        %exp3A_90 = math.exp %sub3A_89 : vector<16xf32>
        %mul3A_91 = arith.mulf %exp3A_90, %get3A_33 : vector<16xf32>
        %swap3A_92 = arith.index_cast %add3A_85 : i32 to index
        %swap3A_93 = tpu.vector_load %arg5[%swap3A_92] {strides = array<i32>} : memref<16000xf32, #tpu.memory_space<vmem>>, vector<16xf32>,
        %swap3A_94 = vector.shape_cast %swap3A_93 : vector<16xf32> to vector<16xf32>
        %swap3A_95 = vector.shape_cast %mul3A_91 : vector<16xf32> to vector<16xf32>
        tpu.vector_store %arg5[%swap3A_92], %swap3A_95 {strides = array<i32>} : memref<16000xf32, #tpu.memory_space<vmem>>, vector<16xf32>,
        %mul3A_96 = arith.constant 128 : i32
        %mul3A_97 = arith.muli %scan3A_70, %mul3A_96 : i32
        %add3A_98 = arith.constant 32 : i32
        %add3A_99 = arith.addi %mul3A_97, %add3A_98 : i32
        %get3A_100 = arith.index_cast %add3A_99 : i32 to index
        %get3A_101 = tpu.vector_load %arg5[%get3A_100] {strides = array<i32>} : memref<16000xf32, #tpu.memory_space<vmem>>, vector<16xf32>,
        %get3A_102 = vector.shape_cast %get3A_101 : vector<16xf32> to vector<16xf32>
        %sub3A_103 = arith.subf %get3A_102, %get3A_12 : vector<16xf32>
        %exp3A_104 = math.exp %sub3A_103 : vector<16xf32>
        %mul3A_105 = arith.mulf %exp3A_104, %get3A_36 : vector<16xf32>
        %swap3A_106 = arith.index_cast %add3A_99 : i32 to index
        %swap3A_107 = tpu.vector_load %arg5[%swap3A_106] {strides = array<i32>} : memref<16000xf32, #tpu.memory_space<vmem>>, vector<16xf32>,
        %swap3A_108 = vector.shape_cast %swap3A_107 : vector<16xf32> to vector<16xf32>
        %swap3A_109 = vector.shape_cast %mul3A_105 : vector<16xf32> to vector<16xf32>
        tpu.vector_store %arg5[%swap3A_106], %swap3A_109 {strides = array<i32>} : memref<16000xf32, #tpu.memory_space<vmem>>, vector<16xf32>,
        %mul3A_110 = arith.constant 128 : i32
        %mul3A_111 = arith.muli %scan3A_70, %mul3A_110 : i32
        %add3A_112 = arith.constant 48 : i32
        %add3A_113 = arith.addi %mul3A_111, %add3A_112 : i32
        %get3A_114 = arith.index_cast %add3A_113 : i32 to index
        %get3A_115 = tpu.vector_load %arg5[%get3A_114] {strides = array<i32>} : memref<16000xf32, #tpu.memory_space<vmem>>, vector<16xf32>,
        %get3A_116 = vector.shape_cast %get3A_115 : vector<16xf32> to vector<16xf32>
        %sub3A_117 = arith.subf %get3A_116, %get3A_15 : vector<16xf32>
        %exp3A_118 = math.exp %sub3A_117 : vector<16xf32>
        %mul3A_119 = arith.mulf %exp3A_118, %get3A_39 : vector<16xf32>
        %swap3A_120 = arith.index_cast %add3A_113 : i32 to index
        %swap3A_121 = tpu.vector_load %arg5[%swap3A_120] {strides = array<i32>} : memref<16000xf32, #tpu.memory_space<vmem>>, vector<16xf32>,
        %swap3A_122 = vector.shape_cast %swap3A_121 : vector<16xf32> to vector<16xf32>
        %swap3A_123 = vector.shape_cast %mul3A_119 : vector<16xf32> to vector<16xf32>
        tpu.vector_store %arg5[%swap3A_120], %swap3A_123 {strides = array<i32>} : memref<16000xf32, #tpu.memory_space<vmem>>, vector<16xf32>,
        %mul3A_124 = arith.constant 128 : i32
        %mul3A_125 = arith.muli %scan3A_70, %mul3A_124 : i32
        %add3A_126 = arith.constant 64 : i32
        %add3A_127 = arith.addi %mul3A_125, %add3A_126 : i32
        %get3A_128 = arith.index_cast %add3A_127 : i32 to index
        %get3A_129 = tpu.vector_load %arg5[%get3A_128] {strides = array<i32>} : memref<16000xf32, #tpu.memory_space<vmem>>, vector<16xf32>,
        %get3A_130 = vector.shape_cast %get3A_129 : vector<16xf32> to vector<16xf32>
        %sub3A_131 = arith.subf %get3A_130, %get3A_18 : vector<16xf32>
        %exp3A_132 = math.exp %sub3A_131 : vector<16xf32>
        %mul3A_133 = arith.mulf %exp3A_132, %get3A_42 : vector<16xf32>
        %swap3A_134 = arith.index_cast %add3A_127 : i32 to index
        %swap3A_135 = tpu.vector_load %arg5[%swap3A_134] {strides = array<i32>} : memref<16000xf32, #tpu.memory_space<vmem>>, vector<16xf32>,
        %swap3A_136 = vector.shape_cast %swap3A_135 : vector<16xf32> to vector<16xf32>
        %swap3A_137 = vector.shape_cast %mul3A_133 : vector<16xf32> to vector<16xf32>
        tpu.vector_store %arg5[%swap3A_134], %swap3A_137 {strides = array<i32>} : memref<16000xf32, #tpu.memory_space<vmem>>, vector<16xf32>,
        %mul3A_138 = arith.constant 128 : i32
        %mul3A_139 = arith.muli %scan3A_70, %mul3A_138 : i32
        %add3A_140 = arith.constant 80 : i32
        %add3A_141 = arith.addi %mul3A_139, %add3A_140 : i32
        %get3A_142 = arith.index_cast %add3A_141 : i32 to index
        %get3A_143 = tpu.vector_load %arg5[%get3A_142] {strides = array<i32>} : memref<16000xf32, #tpu.memory_space<vmem>>, vector<16xf32>,
        %get3A_144 = vector.shape_cast %get3A_143 : vector<16xf32> to vector<16xf32>
        %sub3A_145 = arith.subf %get3A_144, %get3A_21 : vector<16xf32>
        %exp3A_146 = math.exp %sub3A_145 : vector<16xf32>
        %mul3A_147 = arith.mulf %exp3A_146, %get3A_45 : vector<16xf32>
        %swap3A_148 = arith.index_cast %add3A_141 : i32 to index
        %swap3A_149 = tpu.vector_load %arg5[%swap3A_148] {strides = array<i32>} : memref<16000xf32, #tpu.memory_space<vmem>>, vector<16xf32>,
        %swap3A_150 = vector.shape_cast %swap3A_149 : vector<16xf32> to vector<16xf32>
        %swap3A_151 = vector.shape_cast %mul3A_147 : vector<16xf32> to vector<16xf32>
        tpu.vector_store %arg5[%swap3A_148], %swap3A_151 {strides = array<i32>} : memref<16000xf32, #tpu.memory_space<vmem>>, vector<16xf32>,
        %mul3A_152 = arith.constant 128 : i32
        %mul3A_153 = arith.muli %scan3A_70, %mul3A_152 : i32
        %add3A_154 = arith.constant 96 : i32
        %add3A_155 = arith.addi %mul3A_153, %add3A_154 : i32
        %get3A_156 = arith.index_cast %add3A_155 : i32 to index
        %get3A_157 = tpu.vector_load %arg5[%get3A_156] {strides = array<i32>} : memref<16000xf32, #tpu.memory_space<vmem>>, vector<16xf32>,
        %get3A_158 = vector.shape_cast %get3A_157 : vector<16xf32> to vector<16xf32>
        %sub3A_159 = arith.subf %get3A_158, %get3A_24 : vector<16xf32>
        %exp3A_160 = math.exp %sub3A_159 : vector<16xf32>
        %mul3A_161 = arith.mulf %exp3A_160, %get3A_48 : vector<16xf32>
        %swap3A_162 = arith.index_cast %add3A_155 : i32 to index
        %swap3A_163 = tpu.vector_load %arg5[%swap3A_162] {strides = array<i32>} : memref<16000xf32, #tpu.memory_space<vmem>>, vector<16xf32>,
        %swap3A_164 = vector.shape_cast %swap3A_163 : vector<16xf32> to vector<16xf32>
        %swap3A_165 = vector.shape_cast %mul3A_161 : vector<16xf32> to vector<16xf32>
        tpu.vector_store %arg5[%swap3A_162], %swap3A_165 {strides = array<i32>} : memref<16000xf32, #tpu.memory_space<vmem>>, vector<16xf32>,
        %mul3A_166 = arith.constant 128 : i32
        %mul3A_167 = arith.muli %scan3A_70, %mul3A_166 : i32
        %add3A_168 = arith.constant 112 : i32
        %add3A_169 = arith.addi %mul3A_167, %add3A_168 : i32
        %get3A_170 = arith.index_cast %add3A_169 : i32 to index
        %get3A_171 = tpu.vector_load %arg5[%get3A_170] {strides = array<i32>} : memref<16000xf32, #tpu.memory_space<vmem>>, vector<16xf32>,
        %get3A_172 = vector.shape_cast %get3A_171 : vector<16xf32> to vector<16xf32>
        %sub3A_173 = arith.subf %get3A_172, %get3A_27 : vector<16xf32>
        %exp3A_174 = math.exp %sub3A_173 : vector<16xf32>
        %mul3A_175 = arith.mulf %exp3A_174, %get3A_51 : vector<16xf32>
        %swap3A_176 = arith.index_cast %add3A_169 : i32 to index
        %swap3A_177 = tpu.vector_load %arg5[%swap3A_176] {strides = array<i32>} : memref<16000xf32, #tpu.memory_space<vmem>>, vector<16xf32>,
        %swap3A_178 = vector.shape_cast %swap3A_177 : vector<16xf32> to vector<16xf32>
        %swap3A_179 = vector.shape_cast %mul3A_175 : vector<16xf32> to vector<16xf32>
        tpu.vector_store %arg5[%swap3A_176], %swap3A_179 {strides = array<i32>} : memref<16000xf32, #tpu.memory_space<vmem>>, vector<16xf32>,
      }
      %scan3A_66 = arith.constant 125 : i32
      %mul3A_67 = arith.constant 16000 : i32
      %mul3A_68 = arith.muli %scan3A_57, %mul3A_67 : i32
      %add3A_69 = arith.addi %mul3A_4, %mul3A_68 : i32
      "tpu.region"() ({
        %run_scoped3A = tpu.sem_alloc : memref<!tpu.dma_semaphore, #tpu.memory_space<semaphore_mem>>
        %dma_start3A = tpu.memref_slice %arg4[%add3A_69] : memref<12800000xf32, #tpu.memory_space<hbm>> -> memref<16000xf32, #tpu.memory_space<hbm>>
        %dma_start3A_70 = tpu.memref_slice %arg4[%add3A_69] : memref<12800000xf32, #tpu.memory_space<hbm>> -> memref<16000xf32, #tpu.memory_space<hbm>>
        tpu.enqueue_dma source(%arg5 : memref<16000xf32, #tpu.memory_space<vmem>>) target(%dma_start3A_70 : memref<16000xf32, #tpu.memory_space<hbm>>) target_semaphore(%run_scoped3A : memref<!tpu.dma_semaphore, #tpu.memory_space<semaphore_mem>>)
        %dma_wait3A = tpu.memref_slice %arg4[%add3A_69] : memref<12800000xf32, #tpu.memory_space<hbm>> -> memref<16000xf32, #tpu.memory_space<hbm>>
        %dma_wait3A_71 = tpu.memref_slice %arg4[%add3A_69] : memref<12800000xf32, #tpu.memory_space<hbm>> -> memref<16000xf32, #tpu.memory_space<hbm>>
        tpu.wait_dma2 semaphore(%run_scoped3A : memref<!tpu.dma_semaphore, #tpu.memory_space<semaphore_mem>>) src(%arg5 : memref<16000xf32, #tpu.memory_space<vmem>>) dst(%dma_wait3A_71 : memref<16000xf32, #tpu.memory_space<hbm>>)
        tpu.yield
      }) : () -> ()
    }
    %scan3A_56 = arith.constant 25 : i32
    return
  }
}

</mosaic_0001>

<sc_bundles>
// kernel: kernel.4.cloned.1.call-start
scs
__scs_entry_jumppad:
0x0: {  	(pc) =	sbr.rel $0x88, $3  }
0x1: {  	(tag) =	ssettag $0x0;
	lr =	simm.s32 $0x1  }
0x2: {  	[smem:$0x3FA0] =	sst lr;
	_ =	strace $0xD0000000  }
0x3: {  	_ = 	snop  }
0x4: {  	_ = 	snop  }
0x5: {  	_ = 	snop  }
0x6: {  	_ = 	snop  }
0x7: {  	_ = 	snop  }
__scs_overlays_trampoline_lowered:
0x8: {  	[smem:$0x3FAF] =	sst s0  }
0x9: {  	[smem:$0x3FB0] =	sst s1  }
0xa: {  	[smem:$0x3FB1] =	sst s2  }
0xb: {  	[smem:$0x3FB2] =	sst s3  }
0xc: {  	[smem:$0x3FB3] =	sst s4  }
0xd: {  	[smem:$0x3FB4] =	sst s5  }
0xe: {  	[smem:$0x3FB5] =	sst s6  }
0xf: {  	[smem:$0x3FB6] =	sst s7  }
0x10: {  	[smem:$0x3FB7] =	sst s8  }
0x11: {  	[smem:$0x3FB8] =	sst s9;
	s0 =	simm.s32 @!p0 $0x0  }
0x12: {  	s1 =	sld [smem:$0x3F9E];
	s0 =	simm.s32 @p0 $0x1  }
0x13: {  	[smem:$0x3FB9] =	sst s0;
	s0 =	simm.s32 @!p1 $0x0  }
0x14: {  	s2 =	sld [smem:$0x3F9D];
	s0 =	simm.s32 @p1 $0x1  }
0x15: {  	[smem:$0x3FBA] =	sst s0;
	s0 =	simm.s32 @!p2 $0x0  }
0x16: {  	s3 =	sld [smem:$0x3FDB];
	s0 =	simm.s32 @p2 $0x1  }
0x17: {  	s4 =	simm.s32 $0x1BF5;
	[smem:$0x3FBC] =	sst s0  }
0x18: {  	s0 =	sld [smem:$0x3F9F];
	_ =	swait.ge [sflag:s4], $0x0  }
0x19: {  	s7 =	sld [smem:$0x3FA0]  }
0x1a: {  	s8 =	sadd.s32 $0xFFFFE003, lr  }
0x1b: {  	s9 =	sadd.s32 $0xFFFFFEF7, lr;
	s5 =	simm.s32 $0xFFFFFFFF;
	p2 =	slt.u32 s8, $0xFFFFF086  }
0x1c: {  	p1 =	slt.u32 s9, $0xF7A;
	s5 =	simm.s32 @!p2 $0x0  }
0x1d: {  	s5 =	simm.s32 @p1 $0x1;
	p0 =	seq.s32 s7, s2  }
0x1e: {  	s7 =	smul.u32 @!p0 $0xF7A, s2;
	p2 =	seq.s32 @!p0 s5, $0x0  }
0x1f: {  	s9 =	smul.u32 $0xF7A, s1;
	s8 =	simm.s32 @!p0 $0x1BF5;
	p2 =	por !p2, p0  }
0x20: {  	[sflag:s8] =	ssyncset.s32 @!p0 $0xFFFFF086;
	s6 =	sadd.s32 @!p0 s3, s7;
	s7 =	simm.s32 @!p0 $0x108  }
0x21: {  	s3 =	sadd.s32 s3, s9;
	s6 =	sadd.s32 @!p0 $0x88, s6;
	s7 =	simm.s32 @p2 $0x1082  }
0x22: {  	[simem:s7], [sflag:s8] =	dma.local @!p0 [hbm:s6], $0xF7A  }
0x23: {  	s9 =	sor.u32 $0xD0000000, s2;
	s6 =	simm.s32 $0x108;
	_ =	swait.ge @!p0 [sflag:s8], $0x0  }
0x24: {  	s3 =	sadd.s32 $0x88, s3;
	s6 =	simm.s32 @!p1 $0x1082;
	[sflag:s4] =	ssyncset.s32 $0xFFFFF086  }
0x25: {  	[simem:s6], [sflag:s4] =	dma.local [hbm:s3], $0xF7A  }
0x26: {  	[smem:$0x3FA0] =	sst s1;
	(tag) =	ssettag s2;
	_ =	strace s9  }
0x27: {  	s1 =	sld [smem:$0x3FB0]  }
0x28: {  	s2 =	sld [smem:$0x3FB1]  }
0x29: {  	s4 =	sld [smem:$0x3FB3]  }
0x2a: {  	p0 =	seq.s32 s5, $0x0;
	s5 =	sld [smem:$0x3FB4]  }
0x2b: {  	s6 =	sld [smem:$0x3FB5]  }
0x2c: {  	s7 =	sld [smem:$0x3FB6]  }
0x2d: {  	s3 =	simm.s32 $0x108;
	s8 =	sld [smem:$0x3FB7]  }
0x2e: {  	s3 =	simm.s32 @!p0 $0x1082;
	s9 =	sld [smem:$0x3FB8]  }
0x2f: {  	lr =	sadd.s32 s0, s3;
	s0 =	sld [smem:$0x3FAF]  }
0x30: {  	s3 =	sld [smem:$0x3FB2]  }
0x31: {  	[smem:$0x3FBB] =	sst s10  }
0x32: {  	s10 =	sld [smem:$0x3FB9];
	_ =	sdelay $0x3  }
0x33: {  	p0 =	seq.s32 s10, $0x1;
	s10 =	sld [smem:$0x3FBB];
	_ =	sdelay $0x3  }
0x34: {  	[smem:$0x3FBB] =	sst s10  }
0x35: {  	s10 =	sld [smem:$0x3FBA];
	_ =	sdelay $0x3  }
0x36: {  	p1 =	seq.s32 s10, $0x1;
	s10 =	sld [smem:$0x3FBB];
	_ =	sdelay $0x3  }
0x37: {  	[smem:$0x3FBB] =	sst s10  }
0x38: {  	s10 =	sld [smem:$0x3FBC]  }
0x39: {  	_ = 	snop;
	(pc) =	sbr.ind lr, $3  }
0x3a: {  	_ = 	snop  }
0x3b: {  	_ = 	snop  }
0x3c: {  	p2 =	seq.s32 s10, $0x1;
	s10 =	sld [smem:$0x3FBB]  }
0x3d: {  	_ =	shalt  }
0x3e: {  	_ =	shalt  }
0x3f: {  	_ =	shalt  }
0x40: {  	_ =	shalt  }
0x41: {  	_ =	shalt  }
0x42: {  	_ =	shalt  }
0x43: {  	_ =	shalt  }
0x44: {  	_ =	shalt  }
0x45: {  	_ =	shalt  }
0x46: {  	_ =	shalt  }
0x47: {  	_ =	shalt  }
0x48: {  	_ =	shalt  }
0x49: {  	_ =	shalt  }
0x4a: {  	_ =	shalt  }
0x4b: {  	_ =	shalt  }
0x4c: {  	_ =	shalt  }
0x4d: {  	_ =	shalt  }
0x4e: {  	_ =	shalt  }
0x4f: {  	_ =	shalt  }
0x50: {  	_ =	shalt  }
0x51: {  	_ =	shalt  }
0x52: {  	_ =	shalt  }
0x53: {  	_ =	shalt  }
0x54: {  	_ =	shalt  }
0x55: {  	_ =	shalt  }
0x56: {  	_ =	shalt  }
0x57: {  	_ =	shalt  }
0x58: {  	_ =	shalt  }
0x59: {  	_ =	shalt  }
0x5a: {  	_ =	shalt  }
0x5b: {  	_ =	shalt  }
0x5c: {  	_ =	shalt  }
0x5d: {  	_ =	shalt  }
0x5e: {  	_ =	shalt  }
0x5f: {  	_ =	shalt  }
0x60: {  	_ =	shalt  }
0x61: {  	_ =	shalt  }
0x62: {  	_ =	shalt  }
0x63: {  	_ =	shalt  }
0x64: {  	_ =	shalt  }
0x65: {  	_ =	shalt  }
0x66: {  	_ =	shalt  }
0x67: {  	_ =	shalt  }
0x68: {  	_ =	shalt  }
0x69: {  	_ =	shalt  }
0x6a: {  	_ =	shalt  }
0x6b: {  	_ =	shalt  }
0x6c: {  	_ =	shalt  }
0x6d: {  	_ =	shalt  }
0x6e: {  	_ =	shalt  }
0x6f: {  	_ =	shalt  }
0x70: {  	_ =	shalt  }
0x71: {  	_ =	shalt  }
0x72: {  	_ =	shalt  }
0x73: {  	_ =	shalt  }
0x74: {  	_ =	shalt  }
0x75: {  	_ =	shalt  }
0x76: {  	_ =	shalt  }
0x77: {  	_ =	shalt  }
0x78: {  	_ =	shalt  }
0x79: {  	_ =	shalt  }
0x7a: {  	_ =	shalt  }
0x7b: {  	_ =	shalt  }
0x7c: {  	_ =	shalt  }
0x7d: {  	_ =	shalt  }
0x7e: {  	_ =	shalt  }
0x7f: {  	_ =	shalt  }
0x80: {  	_ =	shalt  }
0x81: {  	_ =	shalt  }
0x82: {  	_ =	shalt  }
0x83: {  	_ =	shalt  }
0x84: {  	_ =	shalt  }
0x85: {  	_ =	shalt  }
0x86: {  	_ =	shalt  }
0x87: {  	_ =	shalt  }
.Lfunc_end0:
.L_simem_size_0:
called_computation_lowered:
.L_overlay_start_0:
0x88: {  	s2 =	sld [smem:$0x3FD9]  }
0x89: {  	s3 =	sld [smem:$0x3FFE];
	_ =	sdelay $0x1  }
0x8a: {  	s1 =	srdreg.scid  }
0x8b: {  	s0 =	sand.u32 $0x1, s1  }
0x8c: {  	s17 =	sshll.u32 s0, $0xA;
	s2 =	sadd.s32 s3, s2  }
0x8d: {  	s2 =	sadd.s32 s2, s17  }
0x8e: {  	[smem:$0x3FC7] =	sst s2  }
0x8f: {  	_ = 	snop  }
0x90: {  	s2 =	sld [smem:$0x3FC9]  }
0x91: {  	s18 =	sld [smem:$0x3FD0];
	(tm) =	ssettm $0x1  }
0x92: {  	s4 =	sld [smem:$0x3FFB];
	_ =	sdelay $0x3  }
0x93: {  	_ =	strace s4  }
0x94: {  	s4 =	sld [smem:$0x3FFC];
	_ =	sdelay $0x3  }
0x95: {  	_ =	strace s4  }
0x96: {  	s4 =	sld [smem:$0x3FFD];
	_ =	sdelay $0x3  }
0x97: {  	_ =	strace s4  }
0x98: {  	_ =	strace $0x8FFFFFFF  }
0x99: {  	s19 =	sld [smem:$0x3FDB];
	_ =	sdelay $0x1  }
0x9a: {  	s5 =	simm.s32 $_scs_section_size  }
0x9b: {  	s6 =	simm.s32 $_size__tile_overlayer_lowered;
	s7 =	simm.s32 $_tile_overlayer_lowered  }
0x9c: {  	s22 =	simm.s32 $0x1BFF;
	s21 =	sshll.u32 s7, $0x1;
	s4 =	sadd.s32 s5, s19  }
0x9d: {  	s8 =	simm.s32 $0x0;
	s20 =	sshll.u32 s6, $0x1;
	s6 =	sadd.s32 s21, s4  }
0x9e: {  	[timem:s8], [sflag:s22] =	dma.local [hbm:s6], s20  }
0x9f: {  	_ =	swait.ge [sflag:s22], s20  }
0xa0: {  	s5 =	ssub.s32 $0x0, s20;
	[sflag:s22] =	ssyncset.done $0x0  }
0xa1: {  	[sflag:s22] =	ssyncadd.s32 s5;
	_ =	sdelay $0x1  }
0xa2: {  	s23 =	simm.s32 $0x1B8B  }
0xa3: {  	_ =	swait.ge [sflag:s23], $0x1  }
0xa4: {  	[sflag:s23] =	ssyncset.done $0x0  }
0xa5: {  	s25 =	simm.s32 $0x1B8E;
	s24 =	sld [smem:$0x3FFE];
	[sflag:s23] =	ssyncadd.s32 $0xFFFFFFFF  }
0xa6: {  	s26 =	simm.s32 $execute0_lowered;
	[smem:$0x3FD2] =	sst s25  }
0xa7: {  	s6 =	sshll.u32 s26, $0x1;
	_ =	strace $0x80000046;
	[dreg:$0x1] =	wrdreg $0xFFFFFFFF  }
0xa8: {  	s28 =	simm.s32 $_size_execute0_lowered;
	s4 =	sadd.s32 s4, s6;
	[dreg:$0x0] =	wrdreg $0x0  }
0xa9: {  	s6 =	sshll.u32 s28, $0x1;
	[dreg:$0x2] =	wrdreg s4  }
0xaa: {  	[dreg:$0x3] =	wrdreg s6  }
0xab: {  	[dreg:$0x4] =	wrdreg $0xC0  }
0xac: {  	_ =	task [dreg:s8], $0x5FFFF  }
0xad: {  	[dreg:$0x1] =	wrdreg $0xFFFFFFFF  }
0xae: {  	[dreg:$0x0] =	wrdreg $0x60  }
0xaf: {  	[dreg:$0x2] =	wrdreg s2  }
0xb0: {  	[dreg:$0x3] =	wrdreg s18  }
0xb1: {  	[dreg:$0x4] =	wrdreg s24  }
0xb2: {  	[dreg:$0x5] =	wrdreg $0x9  }
0xb3: {  	_ =	task.clear_ibuf [dreg:s8], $0x6FFFF;
	_ =	strace $0x90000046  }
0xb4: {  	s29 =	simm.s32 $0x9;
	_ =	strace $0x80000048  }
0xb5: {  	_ =	swait.ge [sflag:s29], $0x1  }
0xb6: {  	[sflag:s29] =	ssyncadd.s32 $0xFFFFFFFF  }
0xb7: {  	_ =	strace $0x90000048  }
0xb8: {  	_ =	sfence  }
0xb9: {  	s30 =	sld [smem:$0x0];
	_ =	sdelay $0x2  }
0xba: {  	s31 =	sshll.u32 s1, $0xD;
	s1 =	sshrl.u32 s1, $0x2  }
0xbb: {  	s3 =	sand.u32 $0x4000, s31;
	s1 =	sadd.s32 s1, s30  }
0xbc: {  	s0 =	sor.u32 s3, s0;
	s1 =	sshll.u32 s1, $0x11  }
0xbd: {  	s0 =	sor.u32 s1, s0  }
0xbe: {  	s0 =	sadd.s32 $0x8F2B, s0  }
0xbf: {  	[sflag:s0] =	ssyncadd.remote.s32 $0x1  }
0xc0: {  	_ =	sfence.sel $0xFFFF  }
0xc1: {  	[dreg:$0x0] =	wrdreg $0xFFFFFFFF;
	(pc) =	sbr.abs _section_cstart, $3  }
0xc2: {  	[dreg:$0x1] =	wrdreg $0xFFFFFFFF  }
0xc3: {  	_ =	task.clear_ibuf [dreg:s8], $0x2FFFF;
	_ =	strace $0x9FFFFFFF  }
0xc4: {  	(tm) =	ssettm $0x7FFFFFFF  }
0xc5: {  	_ =	shalt  }
tec
execute0_lowered:
.L_overlay_start_1:
0x0: {  	(tag) =	ssettag $0x1  }
0x1: {  	s1 =	rddreg [dreg:$0x0]  }
0x2: {  	s5 =	rddreg [dreg:$0x1];
	s2 =	srdreg.scid  }
0x3: {  	s0 =	stileid.u32;
	s4 =	rddreg [dreg:$0x2]  }
0x4: {  	s3 =	simm.s32 $0x0;
	s11 =	simm.s32 $0x0;
	s15 =	simm.s32 $0x0  }
0x5: {  	s6 =	sand.u32 $0x1, s2;
	s7 =	sshll.u32 s0, $0x1;
	s2 =	rddreg [dreg:$0x3]  }
0x6: {  	[smem:$0x7FF] =	sst s3;
	s7 =	sor.u32 s6, s7;
	s6 =	ssub.s32 $0x2, s6  }
0x7: {  	_ =	strace $0x80000047;
	s8 =	sshll.u32 s7, $0x4;
	s31 =	sshrl.u32 s6, $0x1  }
0x8: {  	s9 =	sadd.s32 s8, s4;
	s10 =	ssub.s32 s6, s31;
	s4 =	smul.u32 $0x61A80, s7  }
0x9: {  	s5 =	sadd.s32 s5, s8;
	s8 =	simm.s32 $0x1;
	s6 =	sadd.s32 $0x200, s9  }
0xa: {  	v0 =	vimm.f32 $-Inf;
	s7 =	smax.u32 s10, $0x1;
	s9 =	simm.s32 $0x3E80;
	s10 =	simm.s32 $0x3F00  }
.LBB2_1:
0xb: {  	v9 =	vimm.f32 $0.0e+00  }
0xc: {  	v10 =	vimm.f32 $0.0e+00;
	v11 =	vimm.f32 $0.0e+00;
	v14 =	vimm.f32 $0.0e+00  }
0xd: {  	v16 =	vimm.f32 $0.0e+00;
	v15 =	vimm.f32 $0.0e+00;
	v12 =	vimm.f32 $0.0e+00  }
0xe: {  	v13 =	vimm.f32 $0.0e+00;
	v17 =	vimm.f32 $-Inf;
	v18 =	vimm.f32 $-Inf  }
0xf: {  	v19 =	vimm.f32 $-Inf;
	v20 =	vimm.f32 $-Inf;
	v21 =	vimm.f32 $-Inf  }
0x10: {  	v22 =	vimm.f32 $-Inf;
	v23 =	vimm.f32 $-Inf;
	v24 =	vimm.f32 $-Inf;
	s12 =	simm.s32 $0x0  }
.LBB2_2:
0x11: {  	s13 =	smul.u32 $0x3E80, s12;
	_ =	sdelay $0x1  }
0x12: {  	s13 =	sadd.s32 s4, s13  }
0x13: {  	s13 =	sshrl.u32 s13, $0x3  }
0x14: {  	s14 =	simm.s32 $0x0;
	s13 =	sadd.s32 s1, s13  }
0x15: {  	[tilespmem:s14], [sflag:$0x1] =	stream.linear.gather [hbm4b:s13+s14], $0x3E80, $0x38;
	[tilespmem:$0x3F80] =	vst v63  }
0x16: {  	_ =	swait.ge [sflag:s8], $0x3E80  }
0x17: {  	[sflag:s8] =	ssyncset.done $0x0  }
0x18: {  	[sflag:s8] =	ssyncadd.s32 $0xFFFFC180  }
0x19: {  	v1 =	vld [tilespmem:s15+$0x70]  }
0x1a: {  	v3 =	vld [tilespmem:s15+$0x0]  }
0x1b: {  	v4 =	vld [tilespmem:s15+$0x10]  }
0x1c: {  	v29 =	vld [tilespmem:s15+$0x20]  }
0x1d: {  	v26 =	vld [tilespmem:s15+$0x30]  }
0x1e: {  	v28 =	vimm.f32 $-Inf;
	v7 =	vimm.f32 $-Inf;
	v2 =	vld [tilespmem:s15+$0x40]  }
0x1f: {  	v25 =	vimm.f32 $-Inf;
	v6 =	vld [tilespmem:s15+$0x50];
	v8 =	vmax.f32 v0, v1;
	v5 =	vmax.f32 v0, v3  }
0x20: {  	s13 =	simm.s32 $0x80;
	s14 =	simm.s32 $0x400;
	v27 =	vld [tilespmem:s15+$0x60];
	v1 =	vmax.f32 v0, v4;
	v4 =	vimm.f32 $-Inf;
	v3 =	vimm.f32 $-Inf  }
.LBB2_3:
0x21: {  	p0 =	sne.s32 s14, $0xF800;
	v30 =	vld [tilespmem:s13+$0x70];
	v28 =	vmax.f32 v28, v29  }
0x22: {  	v31 =	vld [tilespmem:s13+$0x0];
	v7 =	vmax.f32 v7, v26  }
0x23: {  	v32 =	vld [tilespmem:s13+$0x10];
	v25 =	vmax.f32 v25, v2  }
.Ltmp0:
0x24: {  	v29 =	vld [tilespmem:s13+$0x20];
	v4 =	vmax.f32 v4, v6;
	(pc) =	sbr.rel @p0 .LBB2_3-.Ltmp0, $4  }
0x25: {  	v26 =	vld [tilespmem:s13+$0x30];
	v3 =	vmax.f32 v3, v27  }
0x26: {  	v2 =	vld [tilespmem:s13+$0x40];
	v8 =	vmax.f32 v8, v30  }
0x27: {  	v5 =	vmax.f32 v5, v31;
	v6 =	vld [tilespmem:s13+$0x50]  }
0x28: {  	v1 =	vmax.f32 v1, v32;
	v27 =	vld [tilespmem:s13+$0x60];
	s13 =	sshra.s32 s14, $0x2;
	s14 =	sadd.s32 $0x200, s14  }
0x29: {  	v30 =	vld [tilespmem:s13+$0x0]  }
0x2a: {  	v31 =	vld [tilespmem:s13+$0x10]  }
0x2b: {  	v33 =	vld [tilespmem:s13+$0x30]  }
0x2c: {  	v32 =	vld [tilespmem:s13+$0x20]  }
0x2d: {  	v62 =	vld [tilespmem:s13+$0x40]  }
0x2e: {  	v28 =	vmax.f32 v28, v29;
	v63 =	vld [tilespmem:s13+$0x50];
	v7 =	vmax.f32 v7, v26  }
0x2f: {  	v4 =	vmax.f32 v4, v6;
	v5 =	vmax.f32 v5, v30;
	v26 =	vmax.f32 v1, v31  }
0x30: {  	v7 =	vmax.f32 v7, v33;
	v1 =	vmax.f32 v24, v5;
	v5 =	vmax.f32 v25, v2  }
0x31: {  	v2 =	vmax.f32 v23, v26;
	v25 =	vmax.f32 v28, v32;
	v24 =	vsub.f32 v24, v1  }
0x32: {  	v6 =	vld [tilespmem:s13+$0x60];
	v26 =	vmax.f32 v3, v27;
	v23 =	vsub.f32 v23, v2;
	v3 =	vmax.f32 v22, v25  }
0x33: {  	v5 =	vmax.f32 v5, v62;
	v25 =	vmax.f32 v4, v63;
	v24 =	vmul.f32 $1.442695020e+00, v24  }
0x34: {  	v4 =	vmax.f32 v21, v7;
	v22 =	vsub.f32 v22, v3;
	v23 =	vmul.f32 $1.442695020e+00, v23  }
0x35: {  	v5 =	vmax.f32 v20, v5;
	v21 =	vsub.f32 v21, v4;
	(erf) = vpow2.f32 v24  }
0x36: {  	v20 =	vsub.f32 v20, v5;
	v7 =	vmul.f32 $1.442695020e+00, v22;
	v24 =	vld [tilespmem:s13+$0x70];
	(erf) = vpow2.f32 v23  }
0x37: {  	s30 =	simm.s32 $0x0;
	v22 =	vmax.f32 v26, v6;
	v6 =	vmax.f32 v19, v25;
	v21 =	vmul.f32 $1.442695020e+00, v21  }
0x38: {  	v19 =	vsub.f32 v19, v6;
	(erf) = vpow2.f32 v7;
	v7 =	vmax.f32 v18, v22;
	v22 =	vld [tilespmem:s30+$0x70]  }
0x39: {  	v20 =	vmul.f32 $1.442695020e+00, v20;
	v18 =	vsub.f32 v18, v7  }
0x3a: {  	v19 =	vmul.f32 $1.442695020e+00, v19;
	(erf) = vpow2.f32 v21;
	v21 =	vld [tilespmem:s30+$0x0]  }
0x3b: {  	(erf) = vpow2.f32 v20;
	v20 =	vld [tilespmem:s30+$0x10];
	v8 =	vmax.f32 v8, v24;
	v18 =	vmul.f32 $1.442695020e+00, v18  }
0x3c: {  	(erf) = vpow2.f32 v19;
	v19 =	vld [tilespmem:s30+$0x20];
	v8 =	vmax.f32 v17, v8  }
0x3d: {  	v17 =	vsub.f32 v17, v8;
	v22 =	vsub.f32 v22, v8  }
0x3e: {  	v23 =	vpop (erf);
	(erf) = vpow2.f32 v18  }
0x3f: {  	v21 =	vsub.f32 v21, v1;
	v17 =	vmul.f32 $1.442695020e+00, v17;
	v22 =	vmul.f32 $1.442695020e+00, v22;
	v18 =	vpop (erf)  }
0x40: {  	v20 =	vsub.f32 v20, v2;
	v13 =	vmul.f32 v23, v13;
	v12 =	vmul.f32 v18, v12;
	v18 =	vld [tilespmem:s30+$0x30]  }
0x41: {  	v21 =	vmul.f32 $1.442695020e+00, v21;
	v19 =	vsub.f32 v19, v3;
	v23 =	vpop (erf);
	(erf) = vpow2.f32 v17;
	v17 =	vld [tilespmem:s30+$0x40]  }
0x42: {  	v20 =	vmul.f32 $1.442695020e+00, v20;
	v15 =	vmul.f32 v23, v15;
	v23 =	vld [tilespmem:s30+$0x50]  }
0x43: {  	v24 =	vld [tilespmem:s30+$0x60];
	(erf) = vpow2.f32 v22;
	v19 =	vmul.f32 $1.442695020e+00, v19  }
0x44: {  	s31 =	simm.s32 $0x80;
	v22 =	vpop (erf);
	(erf) = vpow2.f32 v21  }
0x45: {  	v16 =	vmul.f32 v22, v16;
	v21 =	vpop (erf);
	v22 =	vld [tilespmem:s31+$0x70];
	(erf) = vpow2.f32 v20;
	v18 =	vsub.f32 v18, v4  }
0x46: {  	v14 =	vmul.f32 v21, v14;
	v20 =	vpop (erf);
	(erf) = vpow2.f32 v19;
	v17 =	vsub.f32 v17, v5  }
0x47: {  	v21 =	vld [tilespmem:s31+$0x0];
	v11 =	vmul.f32 v20, v11;
	v20 =	vsub.f32 v23, v6;
	v19 =	vpop (erf);
	v18 =	vmul.f32 $1.442695020e+00, v18  }
0x48: {  	v23 =	vld [tilespmem:s31+$0x10];
	v17 =	vmul.f32 $1.442695020e+00, v17;
	v10 =	vmul.f32 v19, v10;
	v19 =	vsub.f32 v24, v7  }
0x49: {  	v20 =	vmul.f32 $1.442695020e+00, v20;
	(erf) = vpow2.f32 v18  }
0x4a: {  	v24 =	vld [tilespmem:s31+$0x20];
	v25 =	vpop (erf);
	v19 =	vmul.f32 $1.442695020e+00, v19;
	(erf) = vpow2.f32 v17;
	v17 =	vsub.f32 v22, v8  }
0x4b: {  	v18 =	vld [tilespmem:s31+$0x30];
	(erf) = vpow2.f32 v20  }
0x4c: {  	v26 =	vld [tilespmem:s31+$0x40];
	v20 =	vsub.f32 v21, v1;
	(erf) = vpow2.f32 v19  }
0x4d: {  	v9 =	vmul.f32 v25, v9;
	v21 =	vld [tilespmem:s31+$0x50];
	v19 =	vsub.f32 v23, v2  }
0x4e: {  	v23 =	vmul.f32 $1.442695020e+00, v17;
	v27 =	vmul.f32 $1.442695020e+00, v20;
	v20 =	vld [tilespmem:s31+$0x60];
	v17 =	vpop (erf)  }
0x4f: {  	v25 =	vsub.f32 v24, v3;
	v9 =	vadd.f32 v17, v9;
	v17 =	vpop (erf)  }
0x50: {  	v22 =	vmul.f32 $1.442695020e+00, v19;
	v24 =	vsub.f32 v18, v4;
	(erf) = vpow2.f32 v23;
	v18 =	vpop (erf)  }
0x51: {  	s14 =	simm.s32 $0x600;
	s13 =	simm.s32 $0x100;
	v23 =	vmul.f32 $1.442695020e+00, v25;
	v25 =	vsub.f32 v26, v5;
	(erf) = vpow2.f32 v27;
	v19 =	vpop (erf)  }
.LBB2_5:
0x52: {  	p0 =	sne.s32 s14, $0xF800;
	v26 =	vld [tilespmem:s13+$0x70];
	v24 =	vmul.f32 $1.442695020e+00, v24;
	v21 =	vsub.f32 v21, v6;
	(erf) = vpow2.f32 v22;
	v22 =	vpop (erf)  }
0x53: {  	v27 =	vld [tilespmem:s13+$0x0];
	v25 =	vmul.f32 $1.442695020e+00, v25;
	v20 =	vsub.f32 v20, v7;
	(erf) = vpow2.f32 v23;
	v23 =	vpop (erf)  }
0x54: {  	v13 =	vadd.f32 v17, v13;
	v28 =	vld [tilespmem:s13+$0x10];
	v21 =	vmul.f32 $1.442695020e+00, v21;
	(erf) = vpow2.f32 v24;
	v17 =	vpop (erf)  }
0x55: {  	v12 =	vadd.f32 v18, v12;
	v24 =	vld [tilespmem:s13+$0x20];
	v20 =	vmul.f32 $1.442695020e+00, v20;
	(erf) = vpow2.f32 v25;
	v18 =	vpop (erf)  }
0x56: {  	v15 =	vadd.f32 v19, v15;
	v16 =	vadd.f32 v22, v16;
	v25 =	vld [tilespmem:s13+$0x30];
	(erf) = vpow2.f32 v21  }
0x57: {  	v14 =	vadd.f32 v23, v14;
	v19 =	vld [tilespmem:s13+$0x40];
	v22 =	vsub.f32 v26, v8;
	(erf) = vpow2.f32 v20  }
.Ltmp1:
0x58: {  	v11 =	vadd.f32 v17, v11;
	v23 =	vsub.f32 v27, v1;
	v21 =	vld [tilespmem:s13+$0x50];
	(pc) =	sbr.rel @p0 .LBB2_5-.Ltmp1, $4  }
0x59: {  	v10 =	vadd.f32 v18, v10;
	v26 =	vsub.f32 v28, v2;
	v20 =	vld [tilespmem:s13+$0x60];
	v27 =	vmul.f32 $1.442695020e+00, v22;
	v17 =	vpop (erf)  }
0x5a: {  	v28 =	vmul.f32 $1.442695020e+00, v23;
	v23 =	vsub.f32 v24, v3;
	v9 =	vadd.f32 v17, v9;
	v17 =	vpop (erf)  }
0x5b: {  	v22 =	vmul.f32 $1.442695020e+00, v26;
	v24 =	vsub.f32 v25, v4;
	(erf) = vpow2.f32 v27;
	v18 =	vpop (erf)  }
0x5c: {  	s13 =	sshra.s32 s14, $0x2;
	s14 =	sadd.s32 $0x200, s14;
	v23 =	vmul.f32 $1.442695020e+00, v23;
	v25 =	vsub.f32 v19, v5;
	(erf) = vpow2.f32 v28;
	v19 =	vpop (erf)  }
0x5d: {  	v26 =	vld [tilespmem:s13+$0x70]  }
0x5e: {  	v27 =	vld [tilespmem:s13+$0x0]  }
0x5f: {  	v28 =	vld [tilespmem:s13+$0x10]  }
0x60: {  	v24 =	vmul.f32 $1.442695020e+00, v24;
	v21 =	vsub.f32 v21, v6;
	(erf) = vpow2.f32 v22;
	v22 =	vld [tilespmem:s13+$0x20]  }
0x61: {  	v25 =	vmul.f32 $1.442695020e+00, v25;
	v20 =	vsub.f32 v20, v7;
	(erf) = vpow2.f32 v23;
	v23 =	vld [tilespmem:s13+$0x30]  }
0x62: {  	v21 =	vmul.f32 $1.442695020e+00, v21;
	(erf) = vpow2.f32 v24;
	v26 =	vsub.f32 v26, v8  }
0x63: {  	v29 =	vpop (erf);
	v24 =	vld [tilespmem:s13+$0x40];
	v20 =	vmul.f32 $1.442695020e+00, v20;
	(erf) = vpow2.f32 v25;
	v25 =	vsub.f32 v27, v1  }
0x64: {  	v30 =	vpop (erf);
	(erf) = vpow2.f32 v21;
	v27 =	vld [tilespmem:s13+$0x50];
	v21 =	vsub.f32 v28, v2;
	v26 =	vmul.f32 $1.442695020e+00, v26  }
0x65: {  	v63 =	vld [tilespmem:s13+$0x60];
	v31 =	vpop (erf);
	(erf) = vpow2.f32 v20;
	v22 =	vsub.f32 v22, v3;
	v20 =	vmul.f32 $1.442695020e+00, v25  }
0x66: {  	v23 =	vsub.f32 v23, v4;
	v21 =	vmul.f32 $1.442695020e+00, v21  }
0x67: {  	v22 =	vmul.f32 $1.442695020e+00, v22;
	v25 =	vpop (erf);
	(erf) = vpow2.f32 v26  }
0x68: {  	v24 =	vsub.f32 v24, v5;
	v23 =	vmul.f32 $1.442695020e+00, v23;
	v26 =	vpop (erf);
	(erf) = vpow2.f32 v20  }
0x69: {  	v27 =	vsub.f32 v27, v6;
	v20 =	vpop (erf);
	(erf) = vpow2.f32 v21  }
0x6a: {  	v28 =	vsub.f32 v63, v7;
	v24 =	vmul.f32 $1.442695020e+00, v24;
	v21 =	vpop (erf);
	(erf) = vpow2.f32 v22  }
0x6b: {  	v27 =	vmul.f32 $1.442695020e+00, v27;
	v22 =	vpop (erf);
	(erf) = vpow2.f32 v23  }
0x6c: {  	v23 =	vpop (erf);
	(erf) = vpow2.f32 v24;
	v24 =	vmul.f32 $1.442695020e+00, v28  }
0x6d: {  	v13 =	vadd.f32 v17, v13;
	v17 =	vpop (erf);
	(erf) = vpow2.f32 v27  }
0x6e: {  	v12 =	vadd.f32 v18, v12;
	v15 =	vadd.f32 v19, v15;
	v18 =	vpop (erf);
	(erf) = vpow2.f32 v24  }
0x6f: {  	v16 =	vadd.f32 v29, v16;
	v14 =	vadd.f32 v30, v14;
	v19 =	vpop (erf)  }
0x70: {  	v11 =	vadd.f32 v31, v11;
	v10 =	vadd.f32 v25, v10;
	v24 =	vpop (erf)  }
0x71: {  	v9 =	vadd.f32 v26, v9;
	v13 =	vadd.f32 v20, v13;
	v20 =	vpop (erf)  }
0x72: {  	s12 =	sadd.s32 $0x1, s12;
	v12 =	vadd.f32 v21, v12;
	v15 =	vadd.f32 v22, v15;
	v21 =	vpop (erf)  }
0x73: {  	p0 =	sne.s32 s12, $0x19;
	v22 =	vmov v3;
	v16 =	vadd.f32 v23, v16;
	v14 =	vadd.f32 v17, v14;
	v17 =	vpop (erf)  }
.Ltmp2:
0x74: {  	v23 =	vmov v2;
	v11 =	vadd.f32 v18, v11;
	v10 =	vadd.f32 v19, v10;
	v18 =	vpop (erf);
	(pc) =	sbr.rel @p0 .LBB2_2-.Ltmp2, $4  }
0x75: {  	v9 =	vadd.f32 v24, v9;
	v24 =	vmov v1;
	v13 =	vadd.f32 v20, v13;
	v19 =	vpop (erf)  }
0x76: {  	v12 =	vadd.f32 v21, v12;
	v21 =	vmov v4;
	v15 =	vadd.f32 v17, v15;
	v20 =	vpop (erf)  }
0x77: {  	v16 =	vadd.f32 v18, v16;
	v18 =	vmov v7;
	v14 =	vadd.f32 v19, v14;
	v17 =	vpop (erf)  }
0x78: {  	v19 =	vmovc v6;
	v11 =	vadd.f32 v20, v11;
	v20 =	vmovc v5;
	v10 =	vadd.f32 v17, v10;
	v17 =	vmov v8  }
0x79: {  	[tilespmem:$0x3E80] =	vst v1  }
0x7a: {  	[tilespmem:$0x3F00] =	vst v13  }
0x7b: {  	[tilespmem:$0x3E90] =	vst v2  }
0x7c: {  	[tilespmem:$0x3F10] =	vst v12  }
0x7d: {  	[tilespmem:$0x3EA0] =	vst v3  }
0x7e: {  	[tilespmem:$0x3F20] =	vst v15  }
0x7f: {  	[tilespmem:$0x3EB0] =	vst v4  }
0x80: {  	[tilespmem:$0x3F30] =	vst v16  }
0x81: {  	[tilespmem:$0x3EC0] =	vst v5  }
0x82: {  	[tilespmem:$0x3F40] =	vst v14  }
0x83: {  	[tilespmem:$0x3ED0] =	vst v6  }
0x84: {  	[tilespmem:$0x3EE0] =	vst v7  }
0x85: {  	[tilespmem:$0x3EF0] =	vst v8  }
0x86: {  	[tilespmem:$0x3F70] =	vst v9  }
0x87: {  	[tilespmem:$0x3F50] =	vst v11  }
0x88: {  	[tilespmem:$0x3F60] =	vst v10  }
0x89: {  	[hbm4b:s5+s3] =	stream.linear.scatter [tilespmem:s9], [sflag:$0x1], $0x80, $0x38;
	[tilespmem:$0x3F80] =	vst v63  }
0x8a: {  	s11 =	sadd.s32 $0x1, s11;
	_ =	swait.ge [sflag:s8], $0x80  }
0x8b: {  	p0 =	sne.s32 s11, s7;
	[sflag:s8] =	ssyncset.done $0x0  }
.Ltmp3:
0x8c: {  	[sflag:s8] =	ssyncadd.s32 $0xFFFFFF80;
	(pc) =	sbr.rel @p0 .LBB2_1-.Ltmp3, $4  }
0x8d: {  	[hbm4b:s6+s3] =	stream.linear.scatter [tilespmem:s10], [sflag:$0x1], $0x80, $0x38;
	[tilespmem:$0x3F80] =	vst v63  }
0x8e: {  	_ =	swait.ge [sflag:s8], $0x80  }
0x8f: {  	[sflag:s8] =	ssyncset.done $0x0  }
0x90: {  	[sflag:s8] =	ssyncadd.s32 $0xFFFFFF80  }
0x91: {  	_ =	sfence.sel $0x180000  }
0x92: {  	[bflag:$0x0] =	sbarrier.arrive $0xFFFF  }
0x93: {  	p0 =	sne.s32 s0, $0x0;
	_ =	strace $0x90000047  }
0x94: {  	s0 =	sadd.s32 @!p0 $0x100000, s2;
	[bflag:$0x2] =	sbarrier.arrive $0xFFFF  }
0x95: {  	[sflag:s0] =	ssyncadd.tile.s32 @!p0 $0x1;
	_ =	shalt  }
.Lfunc_end2:
_tile_overlayer_lowered:
.L_overlay_start_2:
0x96: {  	(tag) =	ssettag $0x2  }
0x97: {  	s0 =	rddreg [dreg:$0x0];
	s2 =	stileid.u32  }
0x98: {  	s1 =	rddreg [dreg:$0x1];
	p0 =	sne.s32 s2, $0x0  }
0x99: {  	s3 =	rddreg [dreg:$0x2];
	[bflag:$0x3] =	sbarrier.arrive $0xFFFF;
	s2 =	simm.s32 @!p0 $0x1C01  }
0x9a: {  	[timem:s3], [sflag:s2] =	dma.local @!p0 [hbm:s0], s1  }
0x9b: {  	s0 =	simm.s32 @!p0 $0x1  }
0x9c: {  	_ =	swait.ge @!p0 [sflag:s0], s1  }
0x9d: {  	s1 =	ssub.s32 @!p0 $0x0, s1;
	[sflag:s0] =	ssyncset.done @!p0 $0x0  }
0x9e: {  	[sflag:s0] =	ssyncadd.s32 @!p0 s1  }
0x9f: {  	[bflag:$0x3] =	sbarrier.arrive $0xFFFF  }
0xa0: {  	_ =	shalt  }

// kernel: kernel.7.cloned.1.call-start
scs
__scs_entry_jumppad:
0x0: {  	(pc) =	sbr.rel $0x88, $3  }
0x1: {  	(tag) =	ssettag $0x0;
	lr =	simm.s32 $0x1  }
0x2: {  	[smem:$0x3FA0] =	sst lr;
	_ =	strace $0xD0000000  }
0x3: {  	_ = 	snop  }
0x4: {  	_ = 	snop  }
0x5: {  	_ = 	snop  }
0x6: {  	_ = 	snop  }
0x7: {  	_ = 	snop  }
__scs_overlays_trampoline_lowered:
0x8: {  	[smem:$0x3FAF] =	sst s0  }
0x9: {  	[smem:$0x3FB0] =	sst s1  }
0xa: {  	[smem:$0x3FB1] =	sst s2  }
0xb: {  	[smem:$0x3FB2] =	sst s3  }
0xc: {  	[smem:$0x3FB3] =	sst s4  }
0xd: {  	[smem:$0x3FB4] =	sst s5  }
0xe: {  	[smem:$0x3FB5] =	sst s6  }
0xf: {  	[smem:$0x3FB6] =	sst s7  }
0x10: {  	[smem:$0x3FB7] =	sst s8  }
0x11: {  	[smem:$0x3FB8] =	sst s9;
	s0 =	simm.s32 @!p0 $0x0  }
0x12: {  	s1 =	sld [smem:$0x3F9E];
	s0 =	simm.s32 @p0 $0x1  }
0x13: {  	[smem:$0x3FB9] =	sst s0;
	s0 =	simm.s32 @!p1 $0x0  }
0x14: {  	s2 =	sld [smem:$0x3F9D];
	s0 =	simm.s32 @p1 $0x1  }
0x15: {  	[smem:$0x3FBA] =	sst s0;
	s0 =	simm.s32 @!p2 $0x0  }
0x16: {  	s3 =	sld [smem:$0x3FDB];
	s0 =	simm.s32 @p2 $0x1  }
0x17: {  	s4 =	simm.s32 $0x1BF5;
	[smem:$0x3FBC] =	sst s0  }
0x18: {  	s0 =	sld [smem:$0x3F9F];
	_ =	swait.ge [sflag:s4], $0x0  }
0x19: {  	s7 =	sld [smem:$0x3FA0]  }
0x1a: {  	s8 =	sadd.s32 $0xFFFFE003, lr  }
0x1b: {  	s9 =	sadd.s32 $0xFFFFFEF7, lr;
	s5 =	simm.s32 $0xFFFFFFFF;
	p2 =	slt.u32 s8, $0xFFFFF086  }
0x1c: {  	p1 =	slt.u32 s9, $0xF7A;
	s5 =	simm.s32 @!p2 $0x0  }
0x1d: {  	s5 =	simm.s32 @p1 $0x1;
	p0 =	seq.s32 s7, s2  }
0x1e: {  	s7 =	smul.u32 @!p0 $0xF7A, s2;
	p2 =	seq.s32 @!p0 s5, $0x0  }
0x1f: {  	s9 =	smul.u32 $0xF7A, s1;
	s8 =	simm.s32 @!p0 $0x1BF5;
	p2 =	por !p2, p0  }
0x20: {  	[sflag:s8] =	ssyncset.s32 @!p0 $0xFFFFF086;
	s6 =	sadd.s32 @!p0 s3, s7;
	s7 =	simm.s32 @!p0 $0x108  }
0x21: {  	s3 =	sadd.s32 s3, s9;
	s6 =	sadd.s32 @!p0 $0x88, s6;
	s7 =	simm.s32 @p2 $0x1082  }
0x22: {  	[simem:s7], [sflag:s8] =	dma.local @!p0 [hbm:s6], $0xF7A  }
0x23: {  	s9 =	sor.u32 $0xD0000000, s2;
	s6 =	simm.s32 $0x108;
	_ =	swait.ge @!p0 [sflag:s8], $0x0  }
0x24: {  	s3 =	sadd.s32 $0x88, s3;
	s6 =	simm.s32 @!p1 $0x1082;
	[sflag:s4] =	ssyncset.s32 $0xFFFFF086  }
0x25: {  	[simem:s6], [sflag:s4] =	dma.local [hbm:s3], $0xF7A  }
0x26: {  	[smem:$0x3FA0] =	sst s1;
	(tag) =	ssettag s2;
	_ =	strace s9  }
0x27: {  	s1 =	sld [smem:$0x3FB0]  }
0x28: {  	s2 =	sld [smem:$0x3FB1]  }
0x29: {  	s4 =	sld [smem:$0x3FB3]  }
0x2a: {  	p0 =	seq.s32 s5, $0x0;
	s5 =	sld [smem:$0x3FB4]  }
0x2b: {  	s6 =	sld [smem:$0x3FB5]  }
0x2c: {  	s7 =	sld [smem:$0x3FB6]  }
0x2d: {  	s3 =	simm.s32 $0x108;
	s8 =	sld [smem:$0x3FB7]  }
0x2e: {  	s3 =	simm.s32 @!p0 $0x1082;
	s9 =	sld [smem:$0x3FB8]  }
0x2f: {  	lr =	sadd.s32 s0, s3;
	s0 =	sld [smem:$0x3FAF]  }
0x30: {  	s3 =	sld [smem:$0x3FB2]  }
0x31: {  	[smem:$0x3FBB] =	sst s10  }
0x32: {  	s10 =	sld [smem:$0x3FB9];
	_ =	sdelay $0x3  }
0x33: {  	p0 =	seq.s32 s10, $0x1;
	s10 =	sld [smem:$0x3FBB];
	_ =	sdelay $0x3  }
0x34: {  	[smem:$0x3FBB] =	sst s10  }
0x35: {  	s10 =	sld [smem:$0x3FBA];
	_ =	sdelay $0x3  }
0x36: {  	p1 =	seq.s32 s10, $0x1;
	s10 =	sld [smem:$0x3FBB];
	_ =	sdelay $0x3  }
0x37: {  	[smem:$0x3FBB] =	sst s10  }
0x38: {  	s10 =	sld [smem:$0x3FBC]  }
0x39: {  	_ = 	snop;
	(pc) =	sbr.ind lr, $3  }
0x3a: {  	_ = 	snop  }
0x3b: {  	_ = 	snop  }
0x3c: {  	p2 =	seq.s32 s10, $0x1;
	s10 =	sld [smem:$0x3FBB]  }
0x3d: {  	_ =	shalt  }
0x3e: {  	_ =	shalt  }
0x3f: {  	_ =	shalt  }
0x40: {  	_ =	shalt  }
0x41: {  	_ =	shalt  }
0x42: {  	_ =	shalt  }
0x43: {  	_ =	shalt  }
0x44: {  	_ =	shalt  }
0x45: {  	_ =	shalt  }
0x46: {  	_ =	shalt  }
0x47: {  	_ =	shalt  }
0x48: {  	_ =	shalt  }
0x49: {  	_ =	shalt  }
0x4a: {  	_ =	shalt  }
0x4b: {  	_ =	shalt  }
0x4c: {  	_ =	shalt  }
0x4d: {  	_ =	shalt  }
0x4e: {  	_ =	shalt  }
0x4f: {  	_ =	shalt  }
0x50: {  	_ =	shalt  }
0x51: {  	_ =	shalt  }
0x52: {  	_ =	shalt  }
0x53: {  	_ =	shalt  }
0x54: {  	_ =	shalt  }
0x55: {  	_ =	shalt  }
0x56: {  	_ =	shalt  }
0x57: {  	_ =	shalt  }
0x58: {  	_ =	shalt  }
0x59: {  	_ =	shalt  }
0x5a: {  	_ =	shalt  }
0x5b: {  	_ =	shalt  }
0x5c: {  	_ =	shalt  }
0x5d: {  	_ =	shalt  }
0x5e: {  	_ =	shalt  }
0x5f: {  	_ =	shalt  }
0x60: {  	_ =	shalt  }
0x61: {  	_ =	shalt  }
0x62: {  	_ =	shalt  }
0x63: {  	_ =	shalt  }
0x64: {  	_ =	shalt  }
0x65: {  	_ =	shalt  }
0x66: {  	_ =	shalt  }
0x67: {  	_ =	shalt  }
0x68: {  	_ =	shalt  }
0x69: {  	_ =	shalt  }
0x6a: {  	_ =	shalt  }
0x6b: {  	_ =	shalt  }
0x6c: {  	_ =	shalt  }
0x6d: {  	_ =	shalt  }
0x6e: {  	_ =	shalt  }
0x6f: {  	_ =	shalt  }
0x70: {  	_ =	shalt  }
0x71: {  	_ =	shalt  }
0x72: {  	_ =	shalt  }
0x73: {  	_ =	shalt  }
0x74: {  	_ =	shalt  }
0x75: {  	_ =	shalt  }
0x76: {  	_ =	shalt  }
0x77: {  	_ =	shalt  }
0x78: {  	_ =	shalt  }
0x79: {  	_ =	shalt  }
0x7a: {  	_ =	shalt  }
0x7b: {  	_ =	shalt  }
0x7c: {  	_ =	shalt  }
0x7d: {  	_ =	shalt  }
0x7e: {  	_ =	shalt  }
0x7f: {  	_ =	shalt  }
0x80: {  	_ =	shalt  }
0x81: {  	_ =	shalt  }
0x82: {  	_ =	shalt  }
0x83: {  	_ =	shalt  }
0x84: {  	_ =	shalt  }
0x85: {  	_ =	shalt  }
0x86: {  	_ =	shalt  }
0x87: {  	_ =	shalt  }
.Lfunc_end0:
.L_simem_size_0:
called_computation.1_lowered:
.L_overlay_start_0:
0x88: {  	s2 =	sld [smem:$0x3FD9]  }
0x89: {  	s3 =	sld [smem:$0x3FFE];
	_ =	sdelay $0x1  }
0x8a: {  	s1 =	srdreg.scid  }
0x8b: {  	s0 =	sand.u32 $0x1, s1  }
0x8c: {  	s17 =	sshll.u32 s0, $0xA;
	s2 =	sadd.s32 s3, s2  }
0x8d: {  	s2 =	sadd.s32 s2, s17  }
0x8e: {  	[smem:$0x3FC7] =	sst s2  }
0x8f: {  	_ = 	snop  }
0x90: {  	s2 =	sld [smem:$0x3FC9]  }
0x91: {  	s18 =	sld [smem:$0x3FD0];
	(tm) =	ssettm $0x1  }
0x92: {  	s4 =	sld [smem:$0x3FFB];
	_ =	sdelay $0x3  }
0x93: {  	_ =	strace s4  }
0x94: {  	s4 =	sld [smem:$0x3FFC];
	_ =	sdelay $0x3  }
0x95: {  	_ =	strace s4  }
0x96: {  	s4 =	sld [smem:$0x3FFD];
	_ =	sdelay $0x3  }
0x97: {  	_ =	strace s4  }
0x98: {  	_ =	strace $0x8FFFFFFF  }
0x99: {  	s19 =	sld [smem:$0x3FDB];
	_ =	sdelay $0x1  }
0x9a: {  	s5 =	simm.s32 $_scs_section_size  }
0x9b: {  	s6 =	simm.s32 $_size__tile_overlayer_lowered;
	s7 =	simm.s32 $_tile_overlayer_lowered  }
0x9c: {  	s22 =	simm.s32 $0x1BFF;
	s21 =	sshll.u32 s7, $0x1;
	s4 =	sadd.s32 s5, s19  }
0x9d: {  	s8 =	simm.s32 $0x0;
	s20 =	sshll.u32 s6, $0x1;
	s6 =	sadd.s32 s21, s4  }
0x9e: {  	[timem:s8], [sflag:s22] =	dma.local [hbm:s6], s20  }
0x9f: {  	_ =	swait.ge [sflag:s22], s20  }
0xa0: {  	s5 =	ssub.s32 $0x0, s20;
	[sflag:s22] =	ssyncset.done $0x0  }
0xa1: {  	[sflag:s22] =	ssyncadd.s32 s5;
	_ =	sdelay $0x1  }
0xa2: {  	s23 =	simm.s32 $0x1B8B  }
0xa3: {  	_ =	swait.ge [sflag:s23], $0x1  }
0xa4: {  	[sflag:s23] =	ssyncset.done $0x0  }
0xa5: {  	s25 =	simm.s32 $0x1B8E;
	s24 =	sld [smem:$0x3FFE];
	[sflag:s23] =	ssyncadd.s32 $0xFFFFFFFF  }
0xa6: {  	s26 =	simm.s32 $execute0_lowered;
	[smem:$0x3FD2] =	sst s25  }
0xa7: {  	s6 =	sshll.u32 s26, $0x1;
	_ =	strace $0x80000049;
	[dreg:$0x1] =	wrdreg $0xFFFFFFFF  }
0xa8: {  	s28 =	simm.s32 $_size_execute0_lowered;
	s4 =	sadd.s32 s4, s6;
	[dreg:$0x0] =	wrdreg $0x0  }
0xa9: {  	s6 =	sshll.u32 s28, $0x1;
	[dreg:$0x2] =	wrdreg s4  }
0xaa: {  	[dreg:$0x3] =	wrdreg s6  }
0xab: {  	[dreg:$0x4] =	wrdreg $0xC0  }
0xac: {  	_ =	task [dreg:s8], $0x5FFFF  }
0xad: {  	[dreg:$0x1] =	wrdreg $0xFFFFFFFF  }
0xae: {  	[dreg:$0x0] =	wrdreg $0x60  }
0xaf: {  	[dreg:$0x2] =	wrdreg s2  }
0xb0: {  	[dreg:$0x3] =	wrdreg s24  }
0xb1: {  	[dreg:$0x4] =	wrdreg s18  }
0xb2: {  	[dreg:$0x5] =	wrdreg $0x9  }
0xb3: {  	_ =	task.clear_ibuf [dreg:s8], $0x6FFFF;
	_ =	strace $0x90000049  }
0xb4: {  	s29 =	simm.s32 $0x9;
	_ =	strace $0x8000004B  }
0xb5: {  	_ =	swait.ge [sflag:s29], $0x1  }
0xb6: {  	[sflag:s29] =	ssyncadd.s32 $0xFFFFFFFF  }
0xb7: {  	_ =	strace $0x9000004B  }
0xb8: {  	_ =	sfence  }
0xb9: {  	s30 =	sld [smem:$0x0];
	_ =	sdelay $0x2  }
0xba: {  	s31 =	sshll.u32 s1, $0xD;
	s1 =	sshrl.u32 s1, $0x2  }
0xbb: {  	s3 =	sand.u32 $0x4000, s31;
	s1 =	sadd.s32 s1, s30  }
0xbc: {  	s0 =	sor.u32 s3, s0;
	s1 =	sshll.u32 s1, $0x11  }
0xbd: {  	s0 =	sor.u32 s1, s0  }
0xbe: {  	s0 =	sadd.s32 $0x8F2B, s0  }
0xbf: {  	[sflag:s0] =	ssyncadd.remote.s32 $0x1  }
0xc0: {  	_ =	sfence.sel $0xFFFF  }
0xc1: {  	[dreg:$0x0] =	wrdreg $0xFFFFFFFF;
	(pc) =	sbr.abs _section_cstart, $3  }
0xc2: {  	[dreg:$0x1] =	wrdreg $0xFFFFFFFF  }
0xc3: {  	_ =	task.clear_ibuf [dreg:s8], $0x2FFFF;
	_ =	strace $0x9FFFFFFF  }
0xc4: {  	(tm) =	ssettm $0x7FFFFFFF  }
0xc5: {  	_ =	shalt  }
tec
execute0_lowered:
.L_overlay_start_1:
0x0: {  	(tag) =	ssettag $0x1  }
0x1: {  	s1 =	rddreg [dreg:$0x0]  }
0x2: {  	s5 =	rddreg [dreg:$0x1]  }
0x3: {  	s2 =	rddreg [dreg:$0x2]  }
0x4: {  	s3 =	srdreg.scid;
	s0 =	rddreg [dreg:$0x3];
	s4 =	simm.s32 $0x0  }
0x5: {  	s10 =	simm.s32 $0x0;
	s6 =	sand.u32 $0x1, s3;
	s3 =	stileid.u32  }
0x6: {  	[smem:$0x7FF] =	sst s4;
	s5 =	sadd.s32 $0x200, s5;
	s7 =	ssub.s32 $0x2, s6  }
0x7: {  	s9 =	sshll.u32 s3, $0x1;
	_ =	strace $0x8000004A;
	s8 =	sshrl.u32 s7, $0x1  }
0x8: {  	s6 =	sor.u32 s6, s9;
	s9 =	simm.s32 $0x1;
	s7 =	ssub.s32 s7, s8  }
0x9: {  	s6 =	smul.u32 $0x61A80, s6;
	s8 =	simm.s32 $0x3E80;
	s7 =	smax.u32 s7, $0x1  }
.LBB2_1:
0xa: {  	[tilespmem:s8], [sflag:$0x1] =	stream.linear.gather [hbm4b:s5+s4], $0x100, $0x38;
	[tilespmem:$0x3F80] =	vst v63  }
0xb: {  	_ =	swait.ge [sflag:s9], $0x100  }
0xc: {  	[sflag:s9] =	ssyncset.done $0x0  }
0xd: {  	[sflag:s9] =	ssyncadd.s32 $0xFFFFFF00  }
0xe: {  	v0 =	vld [tilespmem:$0x3E80]  }
0xf: {  	v1 =	vld [tilespmem:$0x3E90]  }
0x10: {  	v2 =	vld [tilespmem:$0x3EA0]  }
0x11: {  	v3 =	vld [tilespmem:$0x3EB0]  }
0x12: {  	v4 =	vld [tilespmem:$0x3EC0]  }
0x13: {  	v5 =	vld [tilespmem:$0x3ED0]  }
0x14: {  	v6 =	vld [tilespmem:$0x3EE0]  }
0x15: {  	v7 =	vld [tilespmem:$0x3EF0]  }
0x16: {  	v8 =	vld [tilespmem:$0x3F00]  }
0x17: {  	v9 =	vld [tilespmem:$0x3F10]  }
0x18: {  	v10 =	vld [tilespmem:$0x3F20]  }
0x19: {  	v11 =	vld [tilespmem:$0x3F30]  }
0x1a: {  	v12 =	vld [tilespmem:$0x3F40]  }
0x1b: {  	v13 =	vld [tilespmem:$0x3F50]  }
0x1c: {  	v14 =	vld [tilespmem:$0x3F60]  }
0x1d: {  	s11 =	simm.s32 $0x0;
	v15 =	vld [tilespmem:$0x3F70]  }
.LBB2_2:
0x1e: {  	s12 =	smul.u32 $0x3E80, s11;
	_ =	sdelay $0x1  }
0x1f: {  	s12 =	sadd.s32 s6, s12  }
0x20: {  	s12 =	sshrl.u32 s12, $0x3  }
0x21: {  	s14 =	simm.s32 $0x0;
	s13 =	sadd.s32 s1, s12  }
0x22: {  	[tilespmem:s14], [sflag:$0x1] =	stream.linear.gather [hbm4b:s13+s14], $0x3E80, $0x38;
	[tilespmem:$0x3F80] =	vst v63  }
0x23: {  	_ =	swait.ge [sflag:s9], $0x3E80  }
0x24: {  	[sflag:s9] =	ssyncset.done $0x0  }
0x25: {  	s13 =	simm.s32 $0x0;
	[sflag:s9] =	ssyncadd.s32 $0xFFFFC180  }
0x26: {  	v18 =	vld [tilespmem:s13+$0x0]  }
0x27: {  	v21 =	vld [tilespmem:s13+$0x10]  }
0x28: {  	v19 =	vld [tilespmem:s13+$0x20]  }
0x29: {  	v16 =	vld [tilespmem:s13+$0x30]  }
0x2a: {  	v20 =	vld [tilespmem:s13+$0x40]  }
0x2b: {  	v17 =	vld [tilespmem:s13+$0x50];
	v22 =	vsub.f32 v18, v0  }
0x2c: {  	s14 =	simm.s32 $0x200;
	v21 =	vsub.f32 v21, v1;
	v18 =	vld [tilespmem:s13+$0x60]  }
.LBB2_3:
0x2d: {  	p0 =	sne.s32 s14, $0xF800;
	v22 =	vmul.f32 $1.442695020e+00, v22;
	v19 =	vsub.f32 v19, v2;
	v23 =	vld [tilespmem:s13+$0x70]  }
0x2e: {  	v21 =	vmul.f32 $1.442695020e+00, v21;
	v16 =	vsub.f32 v16, v3  }
0x2f: {  	v19 =	vmul.f32 $1.442695020e+00, v19;
	v20 =	vsub.f32 v20, v4;
	(erf) = vpow2.f32 v22  }
0x30: {  	v16 =	vmul.f32 $1.442695020e+00, v16;
	v17 =	vsub.f32 v17, v5;
	(erf) = vpow2.f32 v21  }
0x31: {  	v20 =	vmul.f32 $1.442695020e+00, v20;
	v18 =	vsub.f32 v18, v6;
	(erf) = vpow2.f32 v19  }
0x32: {  	v17 =	vmul.f32 $1.442695020e+00, v17;
	v19 =	vsub.f32 v23, v7;
	(erf) = vpow2.f32 v16  }
0x33: {  	v16 =	vmul.f32 $1.442695020e+00, v18;
	(erf) = vpow2.f32 v20  }
0x34: {  	v18 =	vmul.f32 $1.442695020e+00, v19;
	(erf) = vpow2.f32 v17  }
0x35: {  	(erf) = vpow2.f32 v16  }
0x36: {  	(erf) = vpow2.f32 v18;
	_ =	sdelay $0x1  }
0x37: {  	v16 =	vpop (erf)  }
0x38: {  	v16 =	vmul.f32 v16, v8;
	v17 =	vpop (erf)  }
0x39: {  	v17 =	vmul.f32 v17, v9;
	v18 =	vpop (erf)  }
0x3a: {  	s15 =	sshra.s32 s14, $0x2;
	[tilespmem:s13+$0x0] =	vst v16;
	v19 =	vmul.f32 v18, v10;
	v18 =	vpop (erf)  }
0x3b: {  	v21 =	vld [tilespmem:s15+$0x0];
	[tilespmem:s13+$0x10] =	vst v17;
	v17 =	vmul.f32 v18, v11;
	v18 =	vpop (erf)  }
0x3c: {  	v23 =	vld [tilespmem:s15+$0x10];
	[tilespmem:s13+$0x20] =	vst v19;
	v18 =	vmul.f32 v18, v12;
	v16 =	vpop (erf)  }
.Ltmp0:
0x3d: {  	v19 =	vld [tilespmem:s15+$0x20];
	[tilespmem:s13+$0x30] =	vst v17;
	v17 =	vmul.f32 v16, v13;
	v20 =	vpop (erf);
	(pc) =	sbr.rel @p0 .LBB2_3-.Ltmp0, $4  }
0x3e: {  	v16 =	vld [tilespmem:s15+$0x30];
	[tilespmem:s13+$0x40] =	vst v18;
	v18 =	vmul.f32 v20, v14;
	v22 =	vpop (erf)  }
0x3f: {  	v20 =	vld [tilespmem:s15+$0x40];
	[tilespmem:s13+$0x50] =	vst v17;
	v24 =	vmul.f32 v22, v15  }
0x40: {  	v22 =	vsub.f32 v21, v0;
	v17 =	vld [tilespmem:s15+$0x50];
	[tilespmem:s13+$0x60] =	vst v18  }
0x41: {  	s14 =	sadd.s32 $0x200, s14;
	v21 =	vsub.f32 v23, v1;
	v18 =	vld [tilespmem:s15+$0x60];
	[tilespmem:s13+$0x70] =	vst v24;
	s13 =	smov.u32 s15  }
0x42: {  	v22 =	vmul.f32 $1.442695020e+00, v22;
	v19 =	vsub.f32 v19, v2;
	v23 =	vld [tilespmem:s13+$0x70]  }
0x43: {  	v21 =	vmul.f32 $1.442695020e+00, v21;
	v16 =	vsub.f32 v16, v3  }
0x44: {  	v19 =	vmul.f32 $1.442695020e+00, v19;
	v20 =	vsub.f32 v20, v4;
	(erf) = vpow2.f32 v22  }
0x45: {  	v16 =	vmul.f32 $1.442695020e+00, v16;
	v17 =	vsub.f32 v17, v5;
	(erf) = vpow2.f32 v21  }
0x46: {  	v20 =	vmul.f32 $1.442695020e+00, v20;
	v18 =	vsub.f32 v18, v6;
	(erf) = vpow2.f32 v19  }
0x47: {  	v17 =	vmul.f32 $1.442695020e+00, v17;
	v56 =	vsub.f32 v23, v7;
	(erf) = vpow2.f32 v16  }
0x48: {  	v16 =	vmul.f32 $1.442695020e+00, v18;
	(erf) = vpow2.f32 v20  }
0x49: {  	v57 =	vmul.f32 $1.442695020e+00, v56;
	(erf) = vpow2.f32 v17  }
0x4a: {  	(erf) = vpow2.f32 v16  }
0x4b: {  	(erf) = vpow2.f32 v57;
	_ =	sdelay $0x1  }
0x4c: {  	v16 =	vpop (erf)  }
0x4d: {  	v16 =	vmul.f32 v16, v8;
	v17 =	vpop (erf)  }
0x4e: {  	v17 =	vmul.f32 v17, v9;
	v58 =	vpop (erf)  }
0x4f: {  	[tilespmem:s13+$0x0] =	vst v16;
	v16 =	vmul.f32 v58, v10;
	v59 =	vpop (erf)  }
0x50: {  	[tilespmem:s13+$0x10] =	vst v17;
	v17 =	vmul.f32 v59, v11;
	v60 =	vpop (erf)  }
0x51: {  	[tilespmem:s13+$0x20] =	vst v16;
	v16 =	vmul.f32 v60, v12;
	v61 =	vpop (erf)  }
0x52: {  	[tilespmem:s13+$0x30] =	vst v17;
	v17 =	vmul.f32 v61, v13;
	v62 =	vpop (erf)  }
0x53: {  	[tilespmem:s13+$0x40] =	vst v16;
	v16 =	vmul.f32 v62, v14;
	v63 =	vpop (erf)  }
0x54: {  	s11 =	sadd.s32 $0x1, s11;
	[tilespmem:s13+$0x50] =	vst v17;
	v17 =	vmul.f32 v63, v15  }
0x55: {  	p0 =	sne.s32 s11, $0x19;
	[tilespmem:s13+$0x60] =	vst v16  }
.Ltmp1:
0x56: {  	s12 =	sadd.s32 s2, s12;
	[tilespmem:s13+$0x70] =	vst v17;
	(pc) =	sbr.rel @p0 .LBB2_2-.Ltmp1, $4  }
0x57: {  	[hbm4b:s12+s4] =	stream.linear.scatter [tilespmem:s4], [sflag:$0x1], $0x3E80, $0x38;
	[tilespmem:$0x3F80] =	vst v63  }
0x58: {  	_ =	swait.ge [sflag:s9], $0x3E80  }
0x59: {  	[sflag:s9] =	ssyncset.done $0x0  }
0x5a: {  	[sflag:s9] =	ssyncadd.s32 $0xFFFFC180  }
0x5b: {  	s10 =	sadd.s32 $0x1, s10  }
0x5c: {  	p0 =	sne.s32 s10, s7  }
.Ltmp2:
0x5d: {  	_ = 	snop;
	(pc) =	sbr.rel @p0 .LBB2_1-.Ltmp2, $1  }
0x5e: {  	_ =	sdelay $0x3  }
0x5f: {  	_ =	sfence.sel $0x180000  }
0x60: {  	[bflag:$0x0] =	sbarrier.arrive $0xFFFF  }
0x61: {  	p0 =	sne.s32 s3, $0x0;
	_ =	strace $0x9000004A  }
0x62: {  	s0 =	sadd.s32 @!p0 $0x100000, s0;
	[bflag:$0x2] =	sbarrier.arrive $0xFFFF  }
0x63: {  	[sflag:s0] =	ssyncadd.tile.s32 @!p0 $0x1;
	_ =	shalt  }
.Lfunc_end2:
_tile_overlayer_lowered:
.L_overlay_start_2:
0x64: {  	(tag) =	ssettag $0x2  }
0x65: {  	s0 =	rddreg [dreg:$0x0];
	s2 =	stileid.u32  }
0x66: {  	s1 =	rddreg [dreg:$0x1];
	p0 =	sne.s32 s2, $0x0  }
0x67: {  	s3 =	rddreg [dreg:$0x2];
	[bflag:$0x3] =	sbarrier.arrive $0xFFFF;
	s2 =	simm.s32 @!p0 $0x1C01  }
0x68: {  	[timem:s3], [sflag:s2] =	dma.local @!p0 [hbm:s0], s1  }
0x69: {  	s0 =	simm.s32 @!p0 $0x1  }
0x6a: {  	_ =	swait.ge @!p0 [sflag:s0], s1  }
0x6b: {  	s1 =	ssub.s32 @!p0 $0x0, s1;
	[sflag:s0] =	ssyncset.done @!p0 $0x0  }
0x6c: {  	[sflag:s0] =	ssyncadd.s32 @!p0 s1  }
0x6d: {  	[bflag:$0x3] =	sbarrier.arrive $0xFFFF  }
0x6e: {  	_ =	shalt  }

</sc_bundles>
